<compile_context>
chip_gen: v7x
topology: tpu7x:2x2x1
jax: 0.10.2.dev20260603
libtpu: 0.0.44.dev20260713+nightly
codegen_flags: <defaults>
</compile_context>

<pallas_src>
import functools

import jax
import jax.numpy as jnp
from jax import lax
from jax.experimental import pallas as pl
from jax.experimental.pallas import tpu as pltpu
from jax.experimental.pallas import tpu_sc as plsc

SCORE_THR = 0.3
IOU_THR = 0.5
N = 20000
B = 1024
NB = 20
NP = NB * B
CH = 512


_NC = 2
_NS = 16
_NW = _NC * _NS
_BPW = NP // _NW
_TW = 16
_SC_MESH = plsc.VectorSubcoreMesh(core_axis_name="c", subcore_axis_name="s")


@functools.partial(
    pl.kernel,
    mesh=_SC_MESH,
    compiler_params=pltpu.CompilerParams(use_tc_tiling_on_sc=False),
    out_type=jax.ShapeDtypeStruct((NP, _TW), jnp.float32),
    scratch_types=[
        pltpu.VMEM((_BPW,), jnp.int32),
        pltpu.VMEM((_BPW, _TW), jnp.float32),
        pltpu.SemaphoreType.DMA,
    ],
)
def _sc_gather(table_hbm, idx_hbm, out_hbm, idx_v, rows_v, sem):
    wid = lax.axis_index("s") * _NC + lax.axis_index("c")
    base = wid * _BPW
    pltpu.sync_copy(idx_hbm.at[pl.ds(base, _BPW)], idx_v)
    pltpu.async_copy(table_hbm.at[idx_v], rows_v, sem).wait()
    pltpu.sync_copy(rows_v, out_hbm.at[pl.ds(base, _BPW)])


def _iou_tile(rowr, rc, cx1, cz1, cx2, cz2, carea):
    rx1 = rowr[rc * CH:(rc + 1) * CH, 0:1]
    rz1 = rowr[rc * CH:(rc + 1) * CH, 1:2]
    rx2 = rowr[rc * CH:(rc + 1) * CH, 2:3]
    rz2 = rowr[rc * CH:(rc + 1) * CH, 3:4]
    rarea = rowr[rc * CH:(rc + 1) * CH, 4:5]
    ix = jnp.maximum(jnp.minimum(rx2, cx2) - jnp.maximum(rx1, cx1), 0.0)
    iz = jnp.maximum(jnp.minimum(rz2, cz2) - jnp.maximum(rz1, cz1), 0.0)
    inter = ix * iz
    union = jnp.maximum(rarea + carea - inter, 1e-8)
    return inter / union


def _nms_body(cols_ref, colsT_ref, nvalid_ref, keep_ref, m_scr):
    keep_ref[...] = jnp.ones((NB, 1, B), jnp.float32)
    nbv = (nvalid_ref[0, 0] + (B - 1)) // B

    def block_step(r, carry):
        colr = cols_ref[r]
        rowr = colsT_ref[r]
        c = (colr[0:1, :], colr[1:2, :], colr[2:3, :], colr[3:4, :],
             colr[4:5, :])

        for rc in range(B // CH):
            iou = _iou_tile(rowr, rc, *c)
            rid = jax.lax.broadcasted_iota(jnp.int32, (CH, B), 0) + rc * CH
            cid = jax.lax.broadcasted_iota(jnp.int32, (CH, B), 1)
            m_scr[pl.ds(rc * CH, CH), :] = jnp.where(
                (iou > IOU_THR) & (rid < cid), 1.0, 0.0)

        kinit = keep_ref[r]

        def fcond(st):
            return st[1]

        def fbody(st):
            k = st[0]
            s = jax.lax.dot_general(
                k, m_scr[...],
                dimension_numbers=(((1,), (0,)), ((), ())),
                preferred_element_type=jnp.float32)
            knew = jnp.where(s > 0.5, 0.0, kinit)
            return (knew, jnp.any(knew != k))

        kfin, _ = jax.lax.while_loop(fcond, fbody, (kinit, jnp.bool_(True)))
        keep_ref[r] = kfin

        def cross(_):
            def col_step(cb, _2):
                colc = cols_ref[cb]
                cc = (colc[0:1, :], colc[1:2, :], colc[2:3, :],
                      colc[3:4, :], colc[4:5, :])
                s = jnp.zeros((1, B), jnp.float32)
                for rc in range(B // CH):
                    iou = _iou_tile(rowr, rc, *cc)
                    t = jnp.where(iou > IOU_THR, 1.0, 0.0)
                    s = s + jax.lax.dot_general(
                        kfin[:, rc * CH:(rc + 1) * CH], t,
                        dimension_numbers=(((1,), (0,)), ((), ())),
                        preferred_element_type=jnp.float32)
                keep_ref[cb] = jnp.where(s > 0.5, 0.0, keep_ref[cb])
                return 0

            jax.lax.fori_loop(r + 1, nbv, col_step, 0)
            return 0

        jax.lax.cond(jnp.sum(kfin) > 0, cross, lambda _: 0, 0)
        return 0

    jax.lax.fori_loop(0, nbv, block_step, 0)


def _nms_sorted(cols3, colsT3, nvalid):
    return pl.pallas_call(
        _nms_body,
        out_shape=jax.ShapeDtypeStruct((NB, 1, B), jnp.float32),
        in_specs=[
            pl.BlockSpec(memory_space=pltpu.VMEM),
            pl.BlockSpec(memory_space=pltpu.VMEM),
            pl.BlockSpec(memory_space=pltpu.SMEM),
        ],
        scratch_shapes=[pltpu.VMEM((B, B), jnp.float32)],
    )(cols3, colsT3, nvalid)


def kernel(boxes, scores):
    boxes = boxes.reshape(-1, 7)
    sig = jax.nn.sigmoid(scores.reshape(-1))
    valid = sig > SCORE_THR
    eff = jnp.where(valid, sig, -1.0)
    order = jnp.argsort(-eff)

    cu = boxes[:, 0]
    cv = boxes[:, 2]
    half_l = boxes[:, 5] / 2.0
    half_w = boxes[:, 4] / 2.0
    x1 = cu - half_l
    z1 = cv - half_w
    x2 = cu + half_l
    z2 = cv + half_w
    area = (x2 - x1) * (z2 - z1)

    body = jnp.stack([x1, z1, x2, z2, area], axis=1)
    body = jnp.concatenate(
        [body, jnp.zeros((N, _TW - 5), jnp.float32)], axis=1)
    table = jnp.concatenate(
        [body, jnp.zeros((8, _TW), jnp.float32)], axis=0)
    idx = jnp.concatenate(
        [order.astype(jnp.int32), jnp.full((NP - N,), N, jnp.int32)])
    sorted16 = _sc_gather(table, idx)
    colsT3 = sorted16.reshape(NB, B, _TW)[:, :, :8]
    cols3 = colsT3.transpose(0, 2, 1)

    nvalid = jnp.sum(valid.astype(jnp.int32)).reshape(1, 1)
    keep3 = _nms_sorted(cols3, colsT3, nvalid)
    keep_sorted = keep3.reshape(NP)[:N]
    inv = jnp.argsort(order)
    keep = jnp.take(keep_sorted, inv)

    kf = keep * valid.astype(jnp.float32)
    out = jnp.concatenate([boxes * kf[:, None], (sig * kf)[:, None]], axis=1)
    return out

# --- scband reference (transcript-rebuilt; emitter-appended) ---
"""Pipeline reference for scband-alignment-head-1073741824619 (READ-ONLY COPY).

The authoritative reference and input builder live on the scoring server;
editing this copy changes nothing except your own understanding.
"""

import jax, jax.numpy as jnp
import numpy as np

SCORE_THR = 0.3
IOU_THR = 0.5


def setup_inputs(seed: int = 0) -> dict:
    key = jax.random.key(seed)
    k1, k2 = jax.random.split(key)
    # boxes3d: (x, y, z, h, w, l, ry) in camera coords; scale uniform [0,1) to realistic ranges
    raw = jax.random.uniform(k1, (20000, 7), dtype=jnp.float32)
    scale = jnp.array([100.0, 4.0, 100.0, 3.0, 3.0, 6.0, 3.14159], dtype=jnp.float32)
    offset = jnp.array([0.0, -2.0, 0.0, 0.5, 0.5, 0.5, -1.5708], dtype=jnp.float32)
    boxes = raw * scale + offset
    scores = jax.random.normal(k2, (20000,), dtype=jnp.float32)
    return {"boxes": boxes, "scores": scores}


def boxes3d_to_bev(boxes3d):
    # torch boxes3d_to_bev_torch: bev = [x1, z1, x2, z2, ry]
    cu = boxes3d[:, 0]
    cv = boxes3d[:, 2]
    half_l = boxes3d[:, 5] / 2.0
    half_w = boxes3d[:, 4] / 2.0
    return jnp.stack([cu - half_l, cv - half_w, cu + half_l, cv + half_w, boxes3d[:, 6]], axis=1)


def _iou_row(box, boxes):
    x1 = jnp.maximum(box[0], boxes[:, 0])
    y1 = jnp.maximum(box[1], boxes[:, 1])
    x2 = jnp.minimum(box[2], boxes[:, 2])
    y2 = jnp.minimum(box[3], boxes[:, 3])
    inter = jnp.clip(x2 - x1, 0.0) * jnp.clip(y2 - y1, 0.0)
    area_a = (box[2] - box[0]) * (box[3] - box[1])
    area_b = (boxes[:, 2] - boxes[:, 0]) * (boxes[:, 3] - boxes[:, 1])
    return inter / jnp.clip(area_a + area_b - inter, 1e-8)


def _greedy_nms(bev_sorted):
    n = bev_sorted.shape[0]
    idx = jnp.arange(n)

    def body(i, keep):
        iou = _iou_row(bev_sorted[i], bev_sorted)
        suppress = (iou > IOU_THR) & (idx > i) & keep[i]
        return keep & (~suppress)

    return jax.lax.fori_loop(0, n, body, jnp.ones((n,), dtype=bool))


def reference(boxes, scores):
    # get_rescore_bboxes pipeline for one batch element:
    # sigmoid -> score threshold -> boxes3d_to_bev -> rotated NMS (axis-aligned BEV IoU) -> select
    boxes = boxes.reshape(-1, 7)
    sig = jax.nn.sigmoid(scores.reshape(-1))
    valid = sig > SCORE_THR
    eff = jnp.where(valid, sig, -1.0)
    order = jnp.argsort(-eff)
    bev = boxes3d_to_bev(boxes)
    bev_sorted = bev[order]
    keep_sorted = _greedy_nms(bev_sorted) & valid[order]
    inv = jnp.argsort(order)
    keep = jax.lax.stop_gradient(keep_sorted[inv])
    kf = keep.astype(boxes.dtype)
    out = jnp.concatenate([boxes * kf[:, None], (sig * kf)[:, None]], axis=1)
    return out

if __name__ == "__main__":
    import jax
    _d = setup_inputs()
    print(jax.jit(kernel)(*tuple(_d.values())))

</pallas_src>

<mosaic_0001>
#map = affine_map<(d0, d1) -> (0, 0)>
#map1 = affine_map<(d0, d1) -> (0)>
module attributes {stable_mosaic.version = 14 : i64} {
  func.func @_sc_gather(%arg0: i32, %arg1: i32, %arg2: memref<20008x16xf32, #tpu.memory_space<hbm>>, %arg3: memref<20480xi32, #tpu.memory_space<hbm>>, %arg4: memref<20480x16xf32, #tpu.memory_space<hbm>>, %arg5: memref<640xi32, #tpu.memory_space<vmem>>, %arg6: memref<640x16xf32, #tpu.memory_space<vmem>>, %arg7: memref<!tpu.dma_semaphore, #tpu.memory_space<semaphore_mem>>) attributes {dimension_semantics = [#tpu.dimension_semantics<core_parallel>, #tpu.dimension_semantics<subcore_parallel>], iteration_bounds = array<i64: 2, 16>, scalar_prefetch = 0 : i64, scratch_operands = 3 : i64, tpu.core_type = #tpu.core_type<sc_vector_subcore>, window_params = [{transform_indices = #map}, {transform_indices = #map1}, {transform_indices = #map}]} {
    %mul3A = arith.constant 2 : i32
    %mul3A_0 = arith.muli %arg1, %mul3A : i32
    %add3A = arith.addi %mul3A_0, %arg0 : i32
    %mul3A_1 = arith.constant 640 : i32
    %mul3A_2 = arith.muli %add3A, %mul3A_1 : i32
    "tpu.region"() ({
      %run_scoped3A = tpu.sem_alloc : memref<!tpu.dma_semaphore, #tpu.memory_space<semaphore_mem>>
      %dma_start3A_7 = tpu.memref_slice %arg3[%mul3A_2] : memref<20480xi32, #tpu.memory_space<hbm>> -> memref<640xi32, #tpu.memory_space<hbm>>
      %dma_start3A_8 = tpu.memref_slice %arg3[%mul3A_2] : memref<20480xi32, #tpu.memory_space<hbm>> -> memref<640xi32, #tpu.memory_space<hbm>>
      tpu.enqueue_dma source(%dma_start3A_8 : memref<640xi32, #tpu.memory_space<hbm>>) target(%arg5 : memref<640xi32, #tpu.memory_space<vmem>>) target_semaphore(%run_scoped3A : memref<!tpu.dma_semaphore, #tpu.memory_space<semaphore_mem>>)
      %dma_wait3A_9 = tpu.memref_slice %arg3[%mul3A_2] : memref<20480xi32, #tpu.memory_space<hbm>> -> memref<640xi32, #tpu.memory_space<hbm>>
      %dma_wait3A_10 = tpu.memref_slice %arg3[%mul3A_2] : memref<20480xi32, #tpu.memory_space<hbm>> -> memref<640xi32, #tpu.memory_space<hbm>>
      tpu.wait_dma2 semaphore(%run_scoped3A : memref<!tpu.dma_semaphore, #tpu.memory_space<semaphore_mem>>) src(%dma_wait3A_10 : memref<640xi32, #tpu.memory_space<hbm>>) dst(%arg5 : memref<640xi32, #tpu.memory_space<vmem>>)
      tpu.yield
    }) : () -> ()
    %dma_start3A = arith.constant 0 : i32
    %dma_start3A_3 = arith.constant 0 : i32
    %dma_start3A_4 = tpu.memref_slice %arg2[%dma_start3A, %dma_start3A_3] : memref<20008x16xf32, #tpu.memory_space<hbm>> -> memref<20008x16xf32, #tpu.memory_space<hbm>>
    tpu.enqueue_indirect_dma source(%dma_start3A_4 : memref<20008x16xf32, #tpu.memory_space<hbm>>) target(%arg6 : memref<640x16xf32, #tpu.memory_space<vmem>>) offsets(%arg5 : memref<640xi32, #tpu.memory_space<vmem>>) semaphore(%arg7 : memref<!tpu.dma_semaphore, #tpu.memory_space<semaphore_mem>>)
    %dma_wait3A = arith.constant 0 : i32
    %dma_wait3A_5 = arith.constant 0 : i32
    %dma_wait3A_6 = tpu.memref_slice %arg2[%dma_wait3A, %dma_wait3A_5] : memref<20008x16xf32, #tpu.memory_space<hbm>> -> memref<20008x16xf32, #tpu.memory_space<hbm>>
    tpu.wait_indirect_dma semaphore(%arg7 : memref<!tpu.dma_semaphore, #tpu.memory_space<semaphore_mem>>) src(%dma_wait3A_6 : memref<20008x16xf32, #tpu.memory_space<hbm>>) dst(%arg6 : memref<640x16xf32, #tpu.memory_space<vmem>>)
    "tpu.region"() ({
      %run_scoped3A = tpu.sem_alloc : memref<!tpu.dma_semaphore, #tpu.memory_space<semaphore_mem>>
      %dma_start3A_7 = arith.constant 0 : i32
      %dma_start3A_8 = tpu.memref_slice %arg4[%mul3A_2, %dma_start3A_7] : memref<20480x16xf32, #tpu.memory_space<hbm>> -> memref<640x16xf32, #tpu.memory_space<hbm>>
      %dma_start3A_9 = arith.constant 0 : i32
      %dma_start3A_10 = tpu.memref_slice %arg4[%mul3A_2, %dma_start3A_9] : memref<20480x16xf32, #tpu.memory_space<hbm>> -> memref<640x16xf32, #tpu.memory_space<hbm>>
      tpu.enqueue_dma source(%arg6 : memref<640x16xf32, #tpu.memory_space<vmem>>) target(%dma_start3A_10 : memref<640x16xf32, #tpu.memory_space<hbm>>) target_semaphore(%run_scoped3A : memref<!tpu.dma_semaphore, #tpu.memory_space<semaphore_mem>>)
      %dma_wait3A_11 = arith.constant 0 : i32
      %dma_wait3A_12 = tpu.memref_slice %arg4[%mul3A_2, %dma_wait3A_11] : memref<20480x16xf32, #tpu.memory_space<hbm>> -> memref<640x16xf32, #tpu.memory_space<hbm>>
      %dma_wait3A_13 = arith.constant 0 : i32
      %dma_wait3A_14 = tpu.memref_slice %arg4[%mul3A_2, %dma_wait3A_13] : memref<20480x16xf32, #tpu.memory_space<hbm>> -> memref<640x16xf32, #tpu.memory_space<hbm>>
      tpu.wait_dma2 semaphore(%run_scoped3A : memref<!tpu.dma_semaphore, #tpu.memory_space<semaphore_mem>>) src(%arg6 : memref<640x16xf32, #tpu.memory_space<vmem>>) dst(%dma_wait3A_14 : memref<640x16xf32, #tpu.memory_space<hbm>>)
      tpu.yield
    }) : () -> ()
    return
  }
}

module attributes {stable_mosaic.version = 14 : i64} {
  func.func @_nms_body(%arg0: memref<20x8x1024xf32, #tpu.memory_space<vmem>>, %arg1: memref<20x1024x8xf32, #tpu.memory_space<vmem>>, %arg2: memref<1x1xi32, #tpu.memory_space<smem>>, %arg3: memref<20x1x1024xf32, #tpu.memory_space<vmem>>, %arg4: memref<1024x1024xf32, #tpu.memory_space<vmem>>) attributes {dimension_semantics = [], scalar_prefetch = 0 : i64, scratch_operands = 1 : i64, tpu.core_type = #tpu.core_type<tc>} {
    %broadcast_in_dim3A = arith.constant 1.000000e+00 : f32
    %broadcast_in_dim3A_0 = vector.broadcast %broadcast_in_dim3A : f32 to vector<20x1x1024xf32>
    %swap3A = arith.constant 0 : index
    %swap3A_1 = arith.constant 0 : index
    %swap3A_2 = arith.constant 0 : index
    %swap3A_3 = vector.load %arg3[%swap3A, %swap3A_1, %swap3A_2] : memref<20x1x1024xf32, #tpu.memory_space<vmem>>, vector<20x1x1024xf32>
    tpu.vector_store %arg3[%swap3A, %swap3A_1, %swap3A_2], %broadcast_in_dim3A_0 {strides = array<i32>} : memref<20x1x1024xf32, #tpu.memory_space<vmem>>, vector<20x1x1024xf32>,
    %get3A = arith.constant 0 : index
    %get3A_4 = arith.constant 0 : index
    %get3A_5 = memref.load %arg2[%get3A, %get3A_4] : memref<1x1xi32, #tpu.memory_space<smem>>
    %add3A = arith.constant 1023 : i32
    %add3A_6 = arith.addi %get3A_5, %add3A : i32
    %jit3A = arith.constant 1024 : i32
    %div3A = arith.divsi %add3A_6, %jit3A : i32
    %sign3A = arith.constant 0 : i32
    %sign3A_7 = arith.cmpi sgt, %add3A_6, %sign3A : i32
    %sign3A_8 = arith.extui %sign3A_7 : i1 to i32
    %sign3A_9 = arith.constant 0 : i32
    %sign3A_10 = arith.cmpi slt, %add3A_6, %sign3A_9 : i32
    %sign3A_11 = arith.extui %sign3A_10 : i1 to i32
    %sign3A_12 = arith.subi %sign3A_8, %sign3A_11 : i32
    %sign3A_13 = arith.constant 0 : i32
    %sign3A_14 = arith.cmpi sgt, %jit3A, %sign3A_13 : i32
    %sign3A_15 = arith.extui %sign3A_14 : i1 to i32
    %sign3A_16 = arith.constant 0 : i32
    %sign3A_17 = arith.cmpi slt, %jit3A, %sign3A_16 : i32
    %sign3A_18 = arith.extui %sign3A_17 : i1 to i32
    %sign3A_19 = arith.subi %sign3A_15, %sign3A_18 : i32
    %ne3A = arith.cmpi ne, %sign3A_12, %sign3A_19 : i32
    %rem3A = arith.remsi %add3A_6, %jit3A : i32
    %ne3A_20 = arith.constant 0 : i32
    %ne3A_21 = arith.cmpi ne, %rem3A, %ne3A_20 : i32
    %and3A = arith.andi %ne3A, %ne3A_21 : i1
    %sub3A = arith.constant 1 : i32
    %sub3A_22 = arith.subi %div3A, %sub3A : i32
    %select_n3A = arith.select %and3A, %sub3A_22, %div3A : i32
    %while3A = arith.constant 0 : i32
    %while3A_23 = arith.constant 0 : i32
    %while3A_24 = arith.subi %select_n3A, %while3A : i32
    %while3A_25 = arith.addi %while3A, %while3A_24 : i32
    %while3A_26 = arith.constant 1 : i32
    %while3A_27 = arith.divsi %while3A_24, %while3A_26 : i32
    %while3A_28 = arith.muli %while3A_27, %while3A_26 : i32
    %while3A_29 = arith.addi %while3A, %while3A_28 : i32
    %while3A_30 = arith.constant 1 : i32
    %while3A_31 = scf.for %while3A_34 = %while3A to %while3A_29 step %while3A_30 iter_args(%while3A_35 = %while3A_23) -> (i32)  : i32 {
      %get3A_36 = arith.index_cast %while3A_34 : i32 to index
      %get3A_37 = arith.constant 0 : index
      %get3A_38 = arith.constant 0 : index
      %get3A_39 = vector.load %arg0[%get3A_36, %get3A_37, %get3A_38] : memref<20x8x1024xf32, #tpu.memory_space<vmem>>, vector<1x8x1024xf32>
      %get3A_40 = vector.shape_cast %get3A_39 : vector<1x8x1024xf32> to vector<8x1024xf32>
      %get3A_41 = arith.index_cast %while3A_34 : i32 to index
      %get3A_42 = arith.constant 0 : index
      %get3A_43 = arith.constant 0 : index
      %get3A_44 = vector.load %arg1[%get3A_41, %get3A_42, %get3A_43] : memref<20x1024x8xf32, #tpu.memory_space<vmem>>, vector<1x1024x8xf32>
      %get3A_45 = vector.shape_cast %get3A_44 : vector<1x1024x8xf32> to vector<1024x8xf32>
      %slice3A = vector.extract_strided_slice %get3A_40 {offsets = [0, 0], sizes = [1, 1024], strides = [1, 1]} : vector<8x1024xf32> to vector<1x1024xf32>
      %slice3A_46 = vector.extract_strided_slice %get3A_40 {offsets = [1, 0], sizes = [1, 1024], strides = [1, 1]} : vector<8x1024xf32> to vector<1x1024xf32>
      %slice3A_47 = vector.extract_strided_slice %get3A_40 {offsets = [2, 0], sizes = [1, 1024], strides = [1, 1]} : vector<8x1024xf32> to vector<1x1024xf32>
      %slice3A_48 = vector.extract_strided_slice %get3A_40 {offsets = [3, 0], sizes = [1, 1024], strides = [1, 1]} : vector<8x1024xf32> to vector<1x1024xf32>
      %slice3A_49 = vector.extract_strided_slice %get3A_40 {offsets = [4, 0], sizes = [1, 1024], strides = [1, 1]} : vector<8x1024xf32> to vector<1x1024xf32>
      %slice3A_50 = vector.extract_strided_slice %get3A_45 {offsets = [0, 0], sizes = [512, 1], strides = [1, 1]} : vector<1024x8xf32> to vector<512x1xf32>
      %slice3A_51 = vector.extract_strided_slice %get3A_45 {offsets = [0, 1], sizes = [512, 1], strides = [1, 1]} : vector<1024x8xf32> to vector<512x1xf32>
      %slice3A_52 = vector.extract_strided_slice %get3A_45 {offsets = [0, 2], sizes = [512, 1], strides = [1, 1]} : vector<1024x8xf32> to vector<512x1xf32>
      %slice3A_53 = vector.extract_strided_slice %get3A_45 {offsets = [0, 3], sizes = [512, 1], strides = [1, 1]} : vector<1024x8xf32> to vector<512x1xf32>
      %slice3A_54 = vector.extract_strided_slice %get3A_45 {offsets = [0, 4], sizes = [512, 1], strides = [1, 1]} : vector<1024x8xf32> to vector<512x1xf32>
      %min3A = vector.broadcast %slice3A_52 : vector<512x1xf32> to vector<512x1024xf32>
      %min3A_55 = vector.broadcast %slice3A_47 : vector<1x1024xf32> to vector<512x1024xf32>
      %min3A_56 = arith.minimumf %min3A, %min3A_55 : vector<512x1024xf32>
      %max3A = vector.broadcast %slice3A_50 : vector<512x1xf32> to vector<512x1024xf32>
      %max3A_57 = vector.broadcast %slice3A : vector<1x1024xf32> to vector<512x1024xf32>
      %max3A_58 = arith.maximumf %max3A, %max3A_57 : vector<512x1024xf32>
      %sub3A_59 = arith.subf %min3A_56, %max3A_58 : vector<512x1024xf32>
      %max3A_60 = arith.constant 0.000000e+00 : f32
      %max3A_61 = vector.broadcast %max3A_60 : f32 to vector<512x1024xf32>
      %max3A_62 = arith.maximumf %sub3A_59, %max3A_61 : vector<512x1024xf32>
      %min3A_63 = vector.broadcast %slice3A_53 : vector<512x1xf32> to vector<512x1024xf32>
      %min3A_64 = vector.broadcast %slice3A_48 : vector<1x1024xf32> to vector<512x1024xf32>
      %min3A_65 = arith.minimumf %min3A_63, %min3A_64 : vector<512x1024xf32>
      %max3A_66 = vector.broadcast %slice3A_51 : vector<512x1xf32> to vector<512x1024xf32>
      %max3A_67 = vector.broadcast %slice3A_46 : vector<1x1024xf32> to vector<512x1024xf32>
      %max3A_68 = arith.maximumf %max3A_66, %max3A_67 : vector<512x1024xf32>
      %sub3A_69 = arith.subf %min3A_65, %max3A_68 : vector<512x1024xf32>
      %max3A_70 = arith.constant 0.000000e+00 : f32
      %max3A_71 = vector.broadcast %max3A_70 : f32 to vector<512x1024xf32>
      %max3A_72 = arith.maximumf %sub3A_69, %max3A_71 : vector<512x1024xf32>
      %mul3A = arith.mulf %max3A_62, %max3A_72 : vector<512x1024xf32>
      %add3A_73 = vector.broadcast %slice3A_54 : vector<512x1xf32> to vector<512x1024xf32>
      %add3A_74 = vector.broadcast %slice3A_49 : vector<1x1024xf32> to vector<512x1024xf32>
      %add3A_75 = arith.addf %add3A_73, %add3A_74 : vector<512x1024xf32>
      %sub3A_76 = arith.subf %add3A_75, %mul3A : vector<512x1024xf32>
      %max3A_77 = arith.constant 9.99999993E-9 : f32
      %max3A_78 = vector.broadcast %max3A_77 : f32 to vector<512x1024xf32>
      %max3A_79 = arith.maximumf %sub3A_76, %max3A_78 : vector<512x1024xf32>
      %div3A_80 = arith.divf %mul3A, %max3A_79 : vector<512x1024xf32>
      %iota3A = tpu.iota {dimensions = array<i32: 0>} : vector<512x1024xi32>
      %add3A_81 = arith.constant 0 : i32
      %add3A_82 = vector.broadcast %add3A_81 : i32 to vector<512x1024xi32>
      %add3A_83 = arith.addi %iota3A, %add3A_82 : vector<512x1024xi32>
      %iota3A_84 = tpu.iota {dimensions = array<i32: 1>} : vector<512x1024xi32>
      %gt3A = arith.constant 5.000000e-01 : f32
      %gt3A_85 = vector.broadcast %gt3A : f32 to vector<512x1024xf32>
      %gt3A_86 = arith.cmpf ogt, %div3A_80, %gt3A_85 : vector<512x1024xf32>
      %lt3A = arith.cmpi slt, %add3A_83, %iota3A_84 : vector<512x1024xi32>
      %and3A_87 = arith.andi %gt3A_86, %lt3A : vector<512x1024xi1>
      %jit3A_88 = arith.constant 1.000000e+00 : f32
      %jit3A_89 = arith.constant 0.000000e+00 : f32
      %broadcast_in_dim3A_90 = vector.broadcast %jit3A_88 : f32 to vector<512x1024xf32>
      %broadcast_in_dim3A_91 = vector.broadcast %jit3A_89 : f32 to vector<512x1024xf32>
      %select_n3A_92 = arith.select %and3A_87, %broadcast_in_dim3A_90, %broadcast_in_dim3A_91 : vector<512x1024xi1>, vector<512x1024xf32>
      %swap3A_93 = arith.constant 0 : index
      %swap3A_94 = arith.constant 0 : index
      %swap3A_95 = vector.load %arg4[%swap3A_93, %swap3A_94] : memref<1024x1024xf32, #tpu.memory_space<vmem>>, vector<512x1024xf32>
      tpu.vector_store %arg4[%swap3A_93, %swap3A_94], %select_n3A_92 {strides = array<i32>} : memref<1024x1024xf32, #tpu.memory_space<vmem>>, vector<512x1024xf32>,
      %slice3A_96 = vector.extract_strided_slice %get3A_45 {offsets = [512, 0], sizes = [512, 1], strides = [1, 1]} : vector<1024x8xf32> to vector<512x1xf32>
      %slice3A_97 = vector.extract_strided_slice %get3A_45 {offsets = [512, 1], sizes = [512, 1], strides = [1, 1]} : vector<1024x8xf32> to vector<512x1xf32>
      %slice3A_98 = vector.extract_strided_slice %get3A_45 {offsets = [512, 2], sizes = [512, 1], strides = [1, 1]} : vector<1024x8xf32> to vector<512x1xf32>
      %slice3A_99 = vector.extract_strided_slice %get3A_45 {offsets = [512, 3], sizes = [512, 1], strides = [1, 1]} : vector<1024x8xf32> to vector<512x1xf32>
      %slice3A_100 = vector.extract_strided_slice %get3A_45 {offsets = [512, 4], sizes = [512, 1], strides = [1, 1]} : vector<1024x8xf32> to vector<512x1xf32>
      %min3A_101 = vector.broadcast %slice3A_98 : vector<512x1xf32> to vector<512x1024xf32>
      %min3A_102 = vector.broadcast %slice3A_47 : vector<1x1024xf32> to vector<512x1024xf32>
      %min3A_103 = arith.minimumf %min3A_101, %min3A_102 : vector<512x1024xf32>
      %max3A_104 = vector.broadcast %slice3A_96 : vector<512x1xf32> to vector<512x1024xf32>
      %max3A_105 = vector.broadcast %slice3A : vector<1x1024xf32> to vector<512x1024xf32>
      %max3A_106 = arith.maximumf %max3A_104, %max3A_105 : vector<512x1024xf32>
      %sub3A_107 = arith.subf %min3A_103, %max3A_106 : vector<512x1024xf32>
      %max3A_108 = arith.constant 0.000000e+00 : f32
      %max3A_109 = vector.broadcast %max3A_108 : f32 to vector<512x1024xf32>
      %max3A_110 = arith.maximumf %sub3A_107, %max3A_109 : vector<512x1024xf32>
      %min3A_111 = vector.broadcast %slice3A_99 : vector<512x1xf32> to vector<512x1024xf32>
      %min3A_112 = vector.broadcast %slice3A_48 : vector<1x1024xf32> to vector<512x1024xf32>
      %min3A_113 = arith.minimumf %min3A_111, %min3A_112 : vector<512x1024xf32>
      %max3A_114 = vector.broadcast %slice3A_97 : vector<512x1xf32> to vector<512x1024xf32>
      %max3A_115 = vector.broadcast %slice3A_46 : vector<1x1024xf32> to vector<512x1024xf32>
      %max3A_116 = arith.maximumf %max3A_114, %max3A_115 : vector<512x1024xf32>
      %sub3A_117 = arith.subf %min3A_113, %max3A_116 : vector<512x1024xf32>
      %max3A_118 = arith.constant 0.000000e+00 : f32
      %max3A_119 = vector.broadcast %max3A_118 : f32 to vector<512x1024xf32>
      %max3A_120 = arith.maximumf %sub3A_117, %max3A_119 : vector<512x1024xf32>
      %mul3A_121 = arith.mulf %max3A_110, %max3A_120 : vector<512x1024xf32>
      %add3A_122 = vector.broadcast %slice3A_100 : vector<512x1xf32> to vector<512x1024xf32>
      %add3A_123 = vector.broadcast %slice3A_49 : vector<1x1024xf32> to vector<512x1024xf32>
      %add3A_124 = arith.addf %add3A_122, %add3A_123 : vector<512x1024xf32>
      %sub3A_125 = arith.subf %add3A_124, %mul3A_121 : vector<512x1024xf32>
      %max3A_126 = arith.constant 9.99999993E-9 : f32
      %max3A_127 = vector.broadcast %max3A_126 : f32 to vector<512x1024xf32>
      %max3A_128 = arith.maximumf %sub3A_125, %max3A_127 : vector<512x1024xf32>
      %div3A_129 = arith.divf %mul3A_121, %max3A_128 : vector<512x1024xf32>
      %iota3A_130 = tpu.iota {dimensions = array<i32: 0>} : vector<512x1024xi32>
      %add3A_131 = arith.constant 512 : i32
      %add3A_132 = vector.broadcast %add3A_131 : i32 to vector<512x1024xi32>
      %add3A_133 = arith.addi %iota3A_130, %add3A_132 : vector<512x1024xi32>
      %iota3A_134 = tpu.iota {dimensions = array<i32: 1>} : vector<512x1024xi32>
      %gt3A_135 = arith.constant 5.000000e-01 : f32
      %gt3A_136 = vector.broadcast %gt3A_135 : f32 to vector<512x1024xf32>
      %gt3A_137 = arith.cmpf ogt, %div3A_129, %gt3A_136 : vector<512x1024xf32>
      %lt3A_138 = arith.cmpi slt, %add3A_133, %iota3A_134 : vector<512x1024xi32>
      %and3A_139 = arith.andi %gt3A_137, %lt3A_138 : vector<512x1024xi1>
      %jit3A_140 = arith.constant 1.000000e+00 : f32
      %jit3A_141 = arith.constant 0.000000e+00 : f32
      %broadcast_in_dim3A_142 = vector.broadcast %jit3A_140 : f32 to vector<512x1024xf32>
      %broadcast_in_dim3A_143 = vector.broadcast %jit3A_141 : f32 to vector<512x1024xf32>
      %select_n3A_144 = arith.select %and3A_139, %broadcast_in_dim3A_142, %broadcast_in_dim3A_143 : vector<512x1024xi1>, vector<512x1024xf32>
      %swap3A_145 = arith.constant 512 : index
      %swap3A_146 = arith.constant 0 : index
      %swap3A_147 = vector.load %arg4[%swap3A_145, %swap3A_146] : memref<1024x1024xf32, #tpu.memory_space<vmem>>, vector<512x1024xf32>
      tpu.vector_store %arg4[%swap3A_145, %swap3A_146], %select_n3A_144 {strides = array<i32>} : memref<1024x1024xf32, #tpu.memory_space<vmem>>, vector<512x1024xf32>,
      %get3A_148 = arith.index_cast %while3A_34 : i32 to index
      %get3A_149 = arith.constant 0 : index
      %get3A_150 = arith.constant 0 : index
      %get3A_151 = vector.load %arg3[%get3A_148, %get3A_149, %get3A_150] : memref<20x1x1024xf32, #tpu.memory_space<vmem>>, vector<1x1x1024xf32>
      %get3A_152 = vector.shape_cast %get3A_151 : vector<1x1x1024xf32> to vector<1x1024xf32>
      %while3A_153 = arith.constant true
      %while3A_154:2 = scf.while (%while3A_171 = %get3A_152, %while3A_172 = %while3A_153) : (vector<1x1024xf32>, i1) -> (vector<1x1024xf32>, i1) {
        scf.condition(%while3A_172) %while3A_171, %while3A_172 : vector<1x1024xf32>, i1
      } do {
      ^bb0(%while3A_171: vector<1x1024xf32>, %while3A_172: i1):
        %get3A_173 = arith.constant 0 : index
        %get3A_174 = arith.constant 0 : index
        %get3A_175 = vector.load %arg4[%get3A_173, %get3A_174] : memref<1024x1024xf32, #tpu.memory_space<vmem>>, vector<1024x1024xf32>
        %dot_general3A = arith.constant dense<0.000000e+00> : vector<1x1024xf32>
        %dot_general3A_176 = tpu.matmul %while3A_171, %get3A_175, %dot_general3A {dimension_numbers = #tpu.dot_dimension_numbers<[1], [0], [0], [1], [0, 0, 1, 1], [], []>, transpose_lhs_hint = false} : vector<1x1024xf32>, vector<1024x1024xf32>, vector<1x1024xf32> -> vector<1x1024xf32>
        %gt3A_177 = arith.constant 5.000000e-01 : f32
        %gt3A_178 = vector.broadcast %gt3A_177 : f32 to vector<1x1024xf32>
        %gt3A_179 = arith.cmpf ogt, %dot_general3A_176, %gt3A_178 : vector<1x1024xf32>
        %jit3A_180 = arith.constant 0.000000e+00 : f32
        %broadcast_in_dim3A_181 = vector.broadcast %jit3A_180 : f32 to vector<1x1024xf32>
        %select_n3A_182 = arith.select %gt3A_179, %broadcast_in_dim3A_181, %get3A_152 : vector<1x1024xi1>, vector<1x1024xf32>
        %ne3A_183 = arith.cmpf one, %select_n3A_182, %while3A_171 : vector<1x1024xf32>
        %reduce_or3A = arith.constant 1.000000e+00 : f32
        %reduce_or3A_184 = arith.constant 0.000000e+00 : f32
        %reduce_or3A_185 = vector.broadcast %reduce_or3A : f32 to vector<1x1024xf32>
        %reduce_or3A_186 = vector.broadcast %reduce_or3A_184 : f32 to vector<1x1024xf32>
        %reduce_or3A_187 = arith.select %ne3A_183, %reduce_or3A_185, %reduce_or3A_186 : vector<1x1024xi1>, vector<1x1024xf32>
        %reduce_or3A_188 = vector.shape_cast %reduce_or3A_187 : vector<1x1024xf32> to vector<1x1x1024xf32>
        %reduce_or3A_189 = arith.constant dense<0xFF800000> : vector<1xf32>
        %reduce_or3A_190 = vector.multi_reduction <maximumf>, %reduce_or3A_188, %reduce_or3A_189 [1, 2] : vector<1x1x1024xf32> to vector<1xf32>
        %reduce_or3A_191 = vector.shape_cast %reduce_or3A_190 : vector<1xf32> to vector<1x1x1xf32>
        %reduce_or3A_192 = vector.extract %reduce_or3A_191[0, 0, 0] : f32 from vector<1x1x1xf32>
        %reduce_or3A_193 = arith.constant 0.000000e+00 : f32
        %reduce_or3A_194 = arith.cmpf ogt, %reduce_or3A_192, %reduce_or3A_193 : f32
        scf.yield %select_n3A_182, %reduce_or3A_194 : vector<1x1024xf32>, i1
      }
      %swap3A_155 = arith.index_cast %while3A_34 : i32 to index
      %swap3A_156 = arith.constant 0 : index
      %swap3A_157 = arith.constant 0 : index
      %swap3A_158 = vector.load %arg3[%swap3A_155, %swap3A_156, %swap3A_157] : memref<20x1x1024xf32, #tpu.memory_space<vmem>>, vector<1x1x1024xf32>
      %swap3A_159 = vector.shape_cast %swap3A_158 : vector<1x1x1024xf32> to vector<1x1024xf32>
      %swap3A_160 = vector.shape_cast %while3A_154#0 : vector<1x1024xf32> to vector<1x1x1024xf32>
      tpu.vector_store %arg3[%swap3A_155, %swap3A_156, %swap3A_157], %swap3A_160 {strides = array<i32>} : memref<20x1x1024xf32, #tpu.memory_space<vmem>>, vector<1x1x1024xf32>,
      %reduce_sum3A = vector.shape_cast %while3A_154#0 : vector<1x1024xf32> to vector<1x1x1024xf32>
      %reduce_sum3A_161 = arith.constant dense<0.000000e+00> : vector<1xf32>
      %reduce_sum3A_162 = vector.multi_reduction <add>, %reduce_sum3A, %reduce_sum3A_161 [1, 2] : vector<1x1x1024xf32> to vector<1xf32>
      %reduce_sum3A_163 = vector.shape_cast %reduce_sum3A_162 : vector<1xf32> to vector<1x1x1xf32>
      %reduce_sum3A_164 = vector.extract %reduce_sum3A_163[0, 0, 0] : f32 from vector<1x1x1xf32>
      %gt3A_165 = arith.constant 0.000000e+00 : f32
      %gt3A_166 = arith.cmpf ogt, %reduce_sum3A_164, %gt3A_165 : f32
      %convert_element_type3A = arith.extui %gt3A_166 : i1 to i32
      %cond3A = arith.constant 0 : i32
      %cond3A_167 = arith.constant 0 : i32
      %cond3A_168 = arith.cmpi ne, %convert_element_type3A, %cond3A_167 : i32
      %cond3A_169 = scf.if %cond3A_168 -> (i32) {
        %add3A_171 = arith.constant 1 : i32
        %add3A_172 = arith.addi %while3A_34, %add3A_171 : i32
        %while3A_173 = arith.constant 0 : i32
        %while3A_174 = arith.subi %select_n3A, %add3A_172 : i32
        %while3A_175 = arith.addi %add3A_172, %while3A_174 : i32
        %while3A_176 = arith.constant 1 : i32
        %while3A_177 = arith.divsi %while3A_174, %while3A_176 : i32
        %while3A_178 = arith.muli %while3A_177, %while3A_176 : i32
        %while3A_179 = arith.addi %add3A_172, %while3A_178 : i32
        %while3A_180 = arith.constant 1 : i32
        %while3A_181 = scf.for %while3A_185 = %add3A_172 to %while3A_179 step %while3A_180 iter_args(%while3A_186 = %while3A_173) -> (i32)  : i32 {
          %get3A_187 = arith.index_cast %while3A_185 : i32 to index
          %get3A_188 = arith.constant 0 : index
          %get3A_189 = arith.constant 0 : index
          %get3A_190 = vector.load %arg0[%get3A_187, %get3A_188, %get3A_189] : memref<20x8x1024xf32, #tpu.memory_space<vmem>>, vector<1x8x1024xf32>
          %get3A_191 = vector.shape_cast %get3A_190 : vector<1x8x1024xf32> to vector<8x1024xf32>
          %slice3A_192 = vector.extract_strided_slice %get3A_191 {offsets = [0, 0], sizes = [1, 1024], strides = [1, 1]} : vector<8x1024xf32> to vector<1x1024xf32>
          %slice3A_193 = vector.extract_strided_slice %get3A_191 {offsets = [1, 0], sizes = [1, 1024], strides = [1, 1]} : vector<8x1024xf32> to vector<1x1024xf32>
          %slice3A_194 = vector.extract_strided_slice %get3A_191 {offsets = [2, 0], sizes = [1, 1024], strides = [1, 1]} : vector<8x1024xf32> to vector<1x1024xf32>
          %slice3A_195 = vector.extract_strided_slice %get3A_191 {offsets = [3, 0], sizes = [1, 1024], strides = [1, 1]} : vector<8x1024xf32> to vector<1x1024xf32>
          %slice3A_196 = vector.extract_strided_slice %get3A_191 {offsets = [4, 0], sizes = [1, 1024], strides = [1, 1]} : vector<8x1024xf32> to vector<1x1024xf32>
          %broadcast_in_dim3A_197 = arith.constant 0.000000e+00 : f32
          %broadcast_in_dim3A_198 = vector.broadcast %broadcast_in_dim3A_197 : f32 to vector<1x1024xf32>
          %slice3A_199 = vector.extract_strided_slice %get3A_45 {offsets = [0, 0], sizes = [512, 1], strides = [1, 1]} : vector<1024x8xf32> to vector<512x1xf32>
          %slice3A_200 = vector.extract_strided_slice %get3A_45 {offsets = [0, 1], sizes = [512, 1], strides = [1, 1]} : vector<1024x8xf32> to vector<512x1xf32>
          %slice3A_201 = vector.extract_strided_slice %get3A_45 {offsets = [0, 2], sizes = [512, 1], strides = [1, 1]} : vector<1024x8xf32> to vector<512x1xf32>
          %slice3A_202 = vector.extract_strided_slice %get3A_45 {offsets = [0, 3], sizes = [512, 1], strides = [1, 1]} : vector<1024x8xf32> to vector<512x1xf32>
          %slice3A_203 = vector.extract_strided_slice %get3A_45 {offsets = [0, 4], sizes = [512, 1], strides = [1, 1]} : vector<1024x8xf32> to vector<512x1xf32>
          %min3A_204 = vector.broadcast %slice3A_201 : vector<512x1xf32> to vector<512x1024xf32>
          %min3A_205 = vector.broadcast %slice3A_194 : vector<1x1024xf32> to vector<512x1024xf32>
          %min3A_206 = arith.minimumf %min3A_204, %min3A_205 : vector<512x1024xf32>
          %max3A_207 = vector.broadcast %slice3A_199 : vector<512x1xf32> to vector<512x1024xf32>
          %max3A_208 = vector.broadcast %slice3A_192 : vector<1x1024xf32> to vector<512x1024xf32>
          %max3A_209 = arith.maximumf %max3A_207, %max3A_208 : vector<512x1024xf32>
          %sub3A_210 = arith.subf %min3A_206, %max3A_209 : vector<512x1024xf32>
          %max3A_211 = arith.constant 0.000000e+00 : f32
          %max3A_212 = vector.broadcast %max3A_211 : f32 to vector<512x1024xf32>
          %max3A_213 = arith.maximumf %sub3A_210, %max3A_212 : vector<512x1024xf32>
          %min3A_214 = vector.broadcast %slice3A_202 : vector<512x1xf32> to vector<512x1024xf32>
          %min3A_215 = vector.broadcast %slice3A_195 : vector<1x1024xf32> to vector<512x1024xf32>
          %min3A_216 = arith.minimumf %min3A_214, %min3A_215 : vector<512x1024xf32>
          %max3A_217 = vector.broadcast %slice3A_200 : vector<512x1xf32> to vector<512x1024xf32>
          %max3A_218 = vector.broadcast %slice3A_193 : vector<1x1024xf32> to vector<512x1024xf32>
          %max3A_219 = arith.maximumf %max3A_217, %max3A_218 : vector<512x1024xf32>
          %sub3A_220 = arith.subf %min3A_216, %max3A_219 : vector<512x1024xf32>
          %max3A_221 = arith.constant 0.000000e+00 : f32
          %max3A_222 = vector.broadcast %max3A_221 : f32 to vector<512x1024xf32>
          %max3A_223 = arith.maximumf %sub3A_220, %max3A_222 : vector<512x1024xf32>
          %mul3A_224 = arith.mulf %max3A_213, %max3A_223 : vector<512x1024xf32>
          %add3A_225 = vector.broadcast %slice3A_203 : vector<512x1xf32> to vector<512x1024xf32>
          %add3A_226 = vector.broadcast %slice3A_196 : vector<1x1024xf32> to vector<512x1024xf32>
          %add3A_227 = arith.addf %add3A_225, %add3A_226 : vector<512x1024xf32>
          %sub3A_228 = arith.subf %add3A_227, %mul3A_224 : vector<512x1024xf32>
          %max3A_229 = arith.constant 9.99999993E-9 : f32
          %max3A_230 = vector.broadcast %max3A_229 : f32 to vector<512x1024xf32>
          %max3A_231 = arith.maximumf %sub3A_228, %max3A_230 : vector<512x1024xf32>
          %div3A_232 = arith.divf %mul3A_224, %max3A_231 : vector<512x1024xf32>
          %gt3A_233 = arith.constant 5.000000e-01 : f32
          %gt3A_234 = vector.broadcast %gt3A_233 : f32 to vector<512x1024xf32>
          %gt3A_235 = arith.cmpf ogt, %div3A_232, %gt3A_234 : vector<512x1024xf32>
          %jit3A_236 = arith.constant 1.000000e+00 : f32
          %jit3A_237 = arith.constant 0.000000e+00 : f32
          %broadcast_in_dim3A_238 = vector.broadcast %jit3A_236 : f32 to vector<512x1024xf32>
          %broadcast_in_dim3A_239 = vector.broadcast %jit3A_237 : f32 to vector<512x1024xf32>
          %select_n3A_240 = arith.select %gt3A_235, %broadcast_in_dim3A_238, %broadcast_in_dim3A_239 : vector<512x1024xi1>, vector<512x1024xf32>
          %slice3A_241 = vector.extract_strided_slice %while3A_154#0 {offsets = [0, 0], sizes = [1, 512], strides = [1, 1]} : vector<1x1024xf32> to vector<1x512xf32>
          %dot_general3A = arith.constant dense<0.000000e+00> : vector<1x1024xf32>
          %dot_general3A_242 = tpu.matmul %slice3A_241, %select_n3A_240, %dot_general3A {dimension_numbers = #tpu.dot_dimension_numbers<[1], [0], [0], [1], [0, 0, 1, 1], [], []>, transpose_lhs_hint = false} : vector<1x512xf32>, vector<512x1024xf32>, vector<1x1024xf32> -> vector<1x1024xf32>
          %add3A_243 = arith.addf %broadcast_in_dim3A_198, %dot_general3A_242 : vector<1x1024xf32>
          %slice3A_244 = vector.extract_strided_slice %get3A_45 {offsets = [512, 0], sizes = [512, 1], strides = [1, 1]} : vector<1024x8xf32> to vector<512x1xf32>
          %slice3A_245 = vector.extract_strided_slice %get3A_45 {offsets = [512, 1], sizes = [512, 1], strides = [1, 1]} : vector<1024x8xf32> to vector<512x1xf32>
          %slice3A_246 = vector.extract_strided_slice %get3A_45 {offsets = [512, 2], sizes = [512, 1], strides = [1, 1]} : vector<1024x8xf32> to vector<512x1xf32>
          %slice3A_247 = vector.extract_strided_slice %get3A_45 {offsets = [512, 3], sizes = [512, 1], strides = [1, 1]} : vector<1024x8xf32> to vector<512x1xf32>
          %slice3A_248 = vector.extract_strided_slice %get3A_45 {offsets = [512, 4], sizes = [512, 1], strides = [1, 1]} : vector<1024x8xf32> to vector<512x1xf32>
          %min3A_249 = vector.broadcast %slice3A_246 : vector<512x1xf32> to vector<512x1024xf32>
          %min3A_250 = vector.broadcast %slice3A_194 : vector<1x1024xf32> to vector<512x1024xf32>
          %min3A_251 = arith.minimumf %min3A_249, %min3A_250 : vector<512x1024xf32>
          %max3A_252 = vector.broadcast %slice3A_244 : vector<512x1xf32> to vector<512x1024xf32>
          %max3A_253 = vector.broadcast %slice3A_192 : vector<1x1024xf32> to vector<512x1024xf32>
          %max3A_254 = arith.maximumf %max3A_252, %max3A_253 : vector<512x1024xf32>
          %sub3A_255 = arith.subf %min3A_251, %max3A_254 : vector<512x1024xf32>
          %max3A_256 = arith.constant 0.000000e+00 : f32
          %max3A_257 = vector.broadcast %max3A_256 : f32 to vector<512x1024xf32>
          %max3A_258 = arith.maximumf %sub3A_255, %max3A_257 : vector<512x1024xf32>
          %min3A_259 = vector.broadcast %slice3A_247 : vector<512x1xf32> to vector<512x1024xf32>
          %min3A_260 = vector.broadcast %slice3A_195 : vector<1x1024xf32> to vector<512x1024xf32>
          %min3A_261 = arith.minimumf %min3A_259, %min3A_260 : vector<512x1024xf32>
          %max3A_262 = vector.broadcast %slice3A_245 : vector<512x1xf32> to vector<512x1024xf32>
          %max3A_263 = vector.broadcast %slice3A_193 : vector<1x1024xf32> to vector<512x1024xf32>
          %max3A_264 = arith.maximumf %max3A_262, %max3A_263 : vector<512x1024xf32>
          %sub3A_265 = arith.subf %min3A_261, %max3A_264 : vector<512x1024xf32>
          %max3A_266 = arith.constant 0.000000e+00 : f32
          %max3A_267 = vector.broadcast %max3A_266 : f32 to vector<512x1024xf32>
          %max3A_268 = arith.maximumf %sub3A_265, %max3A_267 : vector<512x1024xf32>
          %mul3A_269 = arith.mulf %max3A_258, %max3A_268 : vector<512x1024xf32>
          %add3A_270 = vector.broadcast %slice3A_248 : vector<512x1xf32> to vector<512x1024xf32>
          %add3A_271 = vector.broadcast %slice3A_196 : vector<1x1024xf32> to vector<512x1024xf32>
          %add3A_272 = arith.addf %add3A_270, %add3A_271 : vector<512x1024xf32>
          %sub3A_273 = arith.subf %add3A_272, %mul3A_269 : vector<512x1024xf32>
          %max3A_274 = arith.constant 9.99999993E-9 : f32
          %max3A_275 = vector.broadcast %max3A_274 : f32 to vector<512x1024xf32>
          %max3A_276 = arith.maximumf %sub3A_273, %max3A_275 : vector<512x1024xf32>
          %div3A_277 = arith.divf %mul3A_269, %max3A_276 : vector<512x1024xf32>
          %gt3A_278 = arith.constant 5.000000e-01 : f32
          %gt3A_279 = vector.broadcast %gt3A_278 : f32 to vector<512x1024xf32>
          %gt3A_280 = arith.cmpf ogt, %div3A_277, %gt3A_279 : vector<512x1024xf32>
          %jit3A_281 = arith.constant 1.000000e+00 : f32
          %jit3A_282 = arith.constant 0.000000e+00 : f32
          %broadcast_in_dim3A_283 = vector.broadcast %jit3A_281 : f32 to vector<512x1024xf32>
          %broadcast_in_dim3A_284 = vector.broadcast %jit3A_282 : f32 to vector<512x1024xf32>
          %select_n3A_285 = arith.select %gt3A_280, %broadcast_in_dim3A_283, %broadcast_in_dim3A_284 : vector<512x1024xi1>, vector<512x1024xf32>
          %slice3A_286 = vector.extract_strided_slice %while3A_154#0 {offsets = [0, 512], sizes = [1, 512], strides = [1, 1]} : vector<1x1024xf32> to vector<1x512xf32>
          %dot_general3A_287 = arith.constant dense<0.000000e+00> : vector<1x1024xf32>
          %dot_general3A_288 = tpu.matmul %slice3A_286, %select_n3A_285, %dot_general3A_287 {dimension_numbers = #tpu.dot_dimension_numbers<[1], [0], [0], [1], [0, 0, 1, 1], [], []>, transpose_lhs_hint = false} : vector<1x512xf32>, vector<512x1024xf32>, vector<1x1024xf32> -> vector<1x1024xf32>
          %add3A_289 = arith.addf %add3A_243, %dot_general3A_288 : vector<1x1024xf32>
          %gt3A_290 = arith.constant 5.000000e-01 : f32
          %gt3A_291 = vector.broadcast %gt3A_290 : f32 to vector<1x1024xf32>
          %gt3A_292 = arith.cmpf ogt, %add3A_289, %gt3A_291 : vector<1x1024xf32>
          %get3A_293 = arith.index_cast %while3A_185 : i32 to index
          %get3A_294 = arith.constant 0 : index
          %get3A_295 = arith.constant 0 : index
          %get3A_296 = vector.load %arg3[%get3A_293, %get3A_294, %get3A_295] : memref<20x1x1024xf32, #tpu.memory_space<vmem>>, vector<1x1x1024xf32>
          %get3A_297 = vector.shape_cast %get3A_296 : vector<1x1x1024xf32> to vector<1x1024xf32>
          %jit3A_298 = arith.constant 0.000000e+00 : f32
          %broadcast_in_dim3A_299 = vector.broadcast %jit3A_298 : f32 to vector<1x1024xf32>
          %select_n3A_300 = arith.select %gt3A_292, %broadcast_in_dim3A_299, %get3A_297 : vector<1x1024xi1>, vector<1x1024xf32>
          %swap3A_301 = arith.index_cast %while3A_185 : i32 to index
          %swap3A_302 = arith.constant 0 : index
          %swap3A_303 = arith.constant 0 : index
          %swap3A_304 = vector.load %arg3[%swap3A_301, %swap3A_302, %swap3A_303] : memref<20x1x1024xf32, #tpu.memory_space<vmem>>, vector<1x1x1024xf32>
          %swap3A_305 = vector.shape_cast %swap3A_304 : vector<1x1x1024xf32> to vector<1x1024xf32>
          %swap3A_306 = vector.shape_cast %select_n3A_300 : vector<1x1024xf32> to vector<1x1x1024xf32>
          tpu.vector_store %arg3[%swap3A_301, %swap3A_302, %swap3A_303], %swap3A_306 {strides = array<i32>} : memref<20x1x1024xf32, #tpu.memory_space<vmem>>, vector<1x1x1024xf32>,
          %while3A_307 = arith.constant 0 : i32
          scf.yield %while3A_307 : i32
        }
        %while3A_182 = arith.constant 1 : i32
        %while3A_183 = scf.for %while3A_185 = %while3A_179 to %while3A_175 step %while3A_182 iter_args(%while3A_186 = %while3A_181) -> (i32)  : i32 {
          %get3A_187 = arith.index_cast %while3A_185 : i32 to index
          %get3A_188 = arith.constant 0 : index
          %get3A_189 = arith.constant 0 : index
          %get3A_190 = vector.load %arg0[%get3A_187, %get3A_188, %get3A_189] : memref<20x8x1024xf32, #tpu.memory_space<vmem>>, vector<1x8x1024xf32>
          %get3A_191 = vector.shape_cast %get3A_190 : vector<1x8x1024xf32> to vector<8x1024xf32>
          %slice3A_192 = vector.extract_strided_slice %get3A_191 {offsets = [0, 0], sizes = [1, 1024], strides = [1, 1]} : vector<8x1024xf32> to vector<1x1024xf32>
          %slice3A_193 = vector.extract_strided_slice %get3A_191 {offsets = [1, 0], sizes = [1, 1024], strides = [1, 1]} : vector<8x1024xf32> to vector<1x1024xf32>
          %slice3A_194 = vector.extract_strided_slice %get3A_191 {offsets = [2, 0], sizes = [1, 1024], strides = [1, 1]} : vector<8x1024xf32> to vector<1x1024xf32>
          %slice3A_195 = vector.extract_strided_slice %get3A_191 {offsets = [3, 0], sizes = [1, 1024], strides = [1, 1]} : vector<8x1024xf32> to vector<1x1024xf32>
          %slice3A_196 = vector.extract_strided_slice %get3A_191 {offsets = [4, 0], sizes = [1, 1024], strides = [1, 1]} : vector<8x1024xf32> to vector<1x1024xf32>
          %broadcast_in_dim3A_197 = arith.constant 0.000000e+00 : f32
          %broadcast_in_dim3A_198 = vector.broadcast %broadcast_in_dim3A_197 : f32 to vector<1x1024xf32>
          %slice3A_199 = vector.extract_strided_slice %get3A_45 {offsets = [0, 0], sizes = [512, 1], strides = [1, 1]} : vector<1024x8xf32> to vector<512x1xf32>
          %slice3A_200 = vector.extract_strided_slice %get3A_45 {offsets = [0, 1], sizes = [512, 1], strides = [1, 1]} : vector<1024x8xf32> to vector<512x1xf32>
          %slice3A_201 = vector.extract_strided_slice %get3A_45 {offsets = [0, 2], sizes = [512, 1], strides = [1, 1]} : vector<1024x8xf32> to vector<512x1xf32>
          %slice3A_202 = vector.extract_strided_slice %get3A_45 {offsets = [0, 3], sizes = [512, 1], strides = [1, 1]} : vector<1024x8xf32> to vector<512x1xf32>
          %slice3A_203 = vector.extract_strided_slice %get3A_45 {offsets = [0, 4], sizes = [512, 1], strides = [1, 1]} : vector<1024x8xf32> to vector<512x1xf32>
          %min3A_204 = vector.broadcast %slice3A_201 : vector<512x1xf32> to vector<512x1024xf32>
          %min3A_205 = vector.broadcast %slice3A_194 : vector<1x1024xf32> to vector<512x1024xf32>
          %min3A_206 = arith.minimumf %min3A_204, %min3A_205 : vector<512x1024xf32>
          %max3A_207 = vector.broadcast %slice3A_199 : vector<512x1xf32> to vector<512x1024xf32>
          %max3A_208 = vector.broadcast %slice3A_192 : vector<1x1024xf32> to vector<512x1024xf32>
          %max3A_209 = arith.maximumf %max3A_207, %max3A_208 : vector<512x1024xf32>
          %sub3A_210 = arith.subf %min3A_206, %max3A_209 : vector<512x1024xf32>
          %max3A_211 = arith.constant 0.000000e+00 : f32
          %max3A_212 = vector.broadcast %max3A_211 : f32 to vector<512x1024xf32>
          %max3A_213 = arith.maximumf %sub3A_210, %max3A_212 : vector<512x1024xf32>
          %min3A_214 = vector.broadcast %slice3A_202 : vector<512x1xf32> to vector<512x1024xf32>
          %min3A_215 = vector.broadcast %slice3A_195 : vector<1x1024xf32> to vector<512x1024xf32>
          %min3A_216 = arith.minimumf %min3A_214, %min3A_215 : vector<512x1024xf32>
          %max3A_217 = vector.broadcast %slice3A_200 : vector<512x1xf32> to vector<512x1024xf32>
          %max3A_218 = vector.broadcast %slice3A_193 : vector<1x1024xf32> to vector<512x1024xf32>
          %max3A_219 = arith.maximumf %max3A_217, %max3A_218 : vector<512x1024xf32>
          %sub3A_220 = arith.subf %min3A_216, %max3A_219 : vector<512x1024xf32>
          %max3A_221 = arith.constant 0.000000e+00 : f32
          %max3A_222 = vector.broadcast %max3A_221 : f32 to vector<512x1024xf32>
          %max3A_223 = arith.maximumf %sub3A_220, %max3A_222 : vector<512x1024xf32>
          %mul3A_224 = arith.mulf %max3A_213, %max3A_223 : vector<512x1024xf32>
          %add3A_225 = vector.broadcast %slice3A_203 : vector<512x1xf32> to vector<512x1024xf32>
          %add3A_226 = vector.broadcast %slice3A_196 : vector<1x1024xf32> to vector<512x1024xf32>
          %add3A_227 = arith.addf %add3A_225, %add3A_226 : vector<512x1024xf32>
          %sub3A_228 = arith.subf %add3A_227, %mul3A_224 : vector<512x1024xf32>
          %max3A_229 = arith.constant 9.99999993E-9 : f32
          %max3A_230 = vector.broadcast %max3A_229 : f32 to vector<512x1024xf32>
          %max3A_231 = arith.maximumf %sub3A_228, %max3A_230 : vector<512x1024xf32>
          %div3A_232 = arith.divf %mul3A_224, %max3A_231 : vector<512x1024xf32>
          %gt3A_233 = arith.constant 5.000000e-01 : f32
          %gt3A_234 = vector.broadcast %gt3A_233 : f32 to vector<512x1024xf32>
          %gt3A_235 = arith.cmpf ogt, %div3A_232, %gt3A_234 : vector<512x1024xf32>
          %jit3A_236 = arith.constant 1.000000e+00 : f32
          %jit3A_237 = arith.constant 0.000000e+00 : f32
          %broadcast_in_dim3A_238 = vector.broadcast %jit3A_236 : f32 to vector<512x1024xf32>
          %broadcast_in_dim3A_239 = vector.broadcast %jit3A_237 : f32 to vector<512x1024xf32>
          %select_n3A_240 = arith.select %gt3A_235, %broadcast_in_dim3A_238, %broadcast_in_dim3A_239 : vector<512x1024xi1>, vector<512x1024xf32>
          %slice3A_241 = vector.extract_strided_slice %while3A_154#0 {offsets = [0, 0], sizes = [1, 512], strides = [1, 1]} : vector<1x1024xf32> to vector<1x512xf32>
          %dot_general3A = arith.constant dense<0.000000e+00> : vector<1x1024xf32>
          %dot_general3A_242 = tpu.matmul %slice3A_241, %select_n3A_240, %dot_general3A {dimension_numbers = #tpu.dot_dimension_numbers<[1], [0], [0], [1], [0, 0, 1, 1], [], []>, transpose_lhs_hint = false} : vector<1x512xf32>, vector<512x1024xf32>, vector<1x1024xf32> -> vector<1x1024xf32>
          %add3A_243 = arith.addf %broadcast_in_dim3A_198, %dot_general3A_242 : vector<1x1024xf32>
          %slice3A_244 = vector.extract_strided_slice %get3A_45 {offsets = [512, 0], sizes = [512, 1], strides = [1, 1]} : vector<1024x8xf32> to vector<512x1xf32>
          %slice3A_245 = vector.extract_strided_slice %get3A_45 {offsets = [512, 1], sizes = [512, 1], strides = [1, 1]} : vector<1024x8xf32> to vector<512x1xf32>
          %slice3A_246 = vector.extract_strided_slice %get3A_45 {offsets = [512, 2], sizes = [512, 1], strides = [1, 1]} : vector<1024x8xf32> to vector<512x1xf32>
          %slice3A_247 = vector.extract_strided_slice %get3A_45 {offsets = [512, 3], sizes = [512, 1], strides = [1, 1]} : vector<1024x8xf32> to vector<512x1xf32>
          %slice3A_248 = vector.extract_strided_slice %get3A_45 {offsets = [512, 4], sizes = [512, 1], strides = [1, 1]} : vector<1024x8xf32> to vector<512x1xf32>
          %min3A_249 = vector.broadcast %slice3A_246 : vector<512x1xf32> to vector<512x1024xf32>
          %min3A_250 = vector.broadcast %slice3A_194 : vector<1x1024xf32> to vector<512x1024xf32>
          %min3A_251 = arith.minimumf %min3A_249, %min3A_250 : vector<512x1024xf32>
          %max3A_252 = vector.broadcast %slice3A_244 : vector<512x1xf32> to vector<512x1024xf32>
          %max3A_253 = vector.broadcast %slice3A_192 : vector<1x1024xf32> to vector<512x1024xf32>
          %max3A_254 = arith.maximumf %max3A_252, %max3A_253 : vector<512x1024xf32>
          %sub3A_255 = arith.subf %min3A_251, %max3A_254 : vector<512x1024xf32>
          %max3A_256 = arith.constant 0.000000e+00 : f32
          %max3A_257 = vector.broadcast %max3A_256 : f32 to vector<512x1024xf32>
          %max3A_258 = arith.maximumf %sub3A_255, %max3A_257 : vector<512x1024xf32>
          %min3A_259 = vector.broadcast %slice3A_247 : vector<512x1xf32> to vector<512x1024xf32>
          %min3A_260 = vector.broadcast %slice3A_195 : vector<1x1024xf32> to vector<512x1024xf32>
          %min3A_261 = arith.minimumf %min3A_259, %min3A_260 : vector<512x1024xf32>
          %max3A_262 = vector.broadcast %slice3A_245 : vector<512x1xf32> to vector<512x1024xf32>
          %max3A_263 = vector.broadcast %slice3A_193 : vector<1x1024xf32> to vector<512x1024xf32>
          %max3A_264 = arith.maximumf %max3A_262, %max3A_263 : vector<512x1024xf32>
          %sub3A_265 = arith.subf %min3A_261, %max3A_264 : vector<512x1024xf32>
          %max3A_266 = arith.constant 0.000000e+00 : f32
          %max3A_267 = vector.broadcast %max3A_266 : f32 to vector<512x1024xf32>
          %max3A_268 = arith.maximumf %sub3A_265, %max3A_267 : vector<512x1024xf32>
          %mul3A_269 = arith.mulf %max3A_258, %max3A_268 : vector<512x1024xf32>
          %add3A_270 = vector.broadcast %slice3A_248 : vector<512x1xf32> to vector<512x1024xf32>
          %add3A_271 = vector.broadcast %slice3A_196 : vector<1x1024xf32> to vector<512x1024xf32>
          %add3A_272 = arith.addf %add3A_270, %add3A_271 : vector<512x1024xf32>
          %sub3A_273 = arith.subf %add3A_272, %mul3A_269 : vector<512x1024xf32>
          %max3A_274 = arith.constant 9.99999993E-9 : f32
          %max3A_275 = vector.broadcast %max3A_274 : f32 to vector<512x1024xf32>
          %max3A_276 = arith.maximumf %sub3A_273, %max3A_275 : vector<512x1024xf32>
          %div3A_277 = arith.divf %mul3A_269, %max3A_276 : vector<512x1024xf32>
          %gt3A_278 = arith.constant 5.000000e-01 : f32
          %gt3A_279 = vector.broadcast %gt3A_278 : f32 to vector<512x1024xf32>
          %gt3A_280 = arith.cmpf ogt, %div3A_277, %gt3A_279 : vector<512x1024xf32>
          %jit3A_281 = arith.constant 1.000000e+00 : f32
          %jit3A_282 = arith.constant 0.000000e+00 : f32
          %broadcast_in_dim3A_283 = vector.broadcast %jit3A_281 : f32 to vector<512x1024xf32>
          %broadcast_in_dim3A_284 = vector.broadcast %jit3A_282 : f32 to vector<512x1024xf32>
          %select_n3A_285 = arith.select %gt3A_280, %broadcast_in_dim3A_283, %broadcast_in_dim3A_284 : vector<512x1024xi1>, vector<512x1024xf32>
          %slice3A_286 = vector.extract_strided_slice %while3A_154#0 {offsets = [0, 512], sizes = [1, 512], strides = [1, 1]} : vector<1x1024xf32> to vector<1x512xf32>
          %dot_general3A_287 = arith.constant dense<0.000000e+00> : vector<1x1024xf32>
          %dot_general3A_288 = tpu.matmul %slice3A_286, %select_n3A_285, %dot_general3A_287 {dimension_numbers = #tpu.dot_dimension_numbers<[1], [0], [0], [1], [0, 0, 1, 1], [], []>, transpose_lhs_hint = false} : vector<1x512xf32>, vector<512x1024xf32>, vector<1x1024xf32> -> vector<1x1024xf32>
          %add3A_289 = arith.addf %add3A_243, %dot_general3A_288 : vector<1x1024xf32>
          %gt3A_290 = arith.constant 5.000000e-01 : f32
          %gt3A_291 = vector.broadcast %gt3A_290 : f32 to vector<1x1024xf32>
          %gt3A_292 = arith.cmpf ogt, %add3A_289, %gt3A_291 : vector<1x1024xf32>
          %get3A_293 = arith.index_cast %while3A_185 : i32 to index
          %get3A_294 = arith.constant 0 : index
          %get3A_295 = arith.constant 0 : index
          %get3A_296 = vector.load %arg3[%get3A_293, %get3A_294, %get3A_295] : memref<20x1x1024xf32, #tpu.memory_space<vmem>>, vector<1x1x1024xf32>
          %get3A_297 = vector.shape_cast %get3A_296 : vector<1x1x1024xf32> to vector<1x1024xf32>
          %jit3A_298 = arith.constant 0.000000e+00 : f32
          %broadcast_in_dim3A_299 = vector.broadcast %jit3A_298 : f32 to vector<1x1024xf32>
          %select_n3A_300 = arith.select %gt3A_292, %broadcast_in_dim3A_299, %get3A_297 : vector<1x1024xi1>, vector<1x1024xf32>
          %swap3A_301 = arith.index_cast %while3A_185 : i32 to index
          %swap3A_302 = arith.constant 0 : index
          %swap3A_303 = arith.constant 0 : index
          %swap3A_304 = vector.load %arg3[%swap3A_301, %swap3A_302, %swap3A_303] : memref<20x1x1024xf32, #tpu.memory_space<vmem>>, vector<1x1x1024xf32>
          %swap3A_305 = vector.shape_cast %swap3A_304 : vector<1x1x1024xf32> to vector<1x1024xf32>
          %swap3A_306 = vector.shape_cast %select_n3A_300 : vector<1x1024xf32> to vector<1x1x1024xf32>
          tpu.vector_store %arg3[%swap3A_301, %swap3A_302, %swap3A_303], %swap3A_306 {strides = array<i32>} : memref<20x1x1024xf32, #tpu.memory_space<vmem>>, vector<1x1x1024xf32>,
          %while3A_307 = arith.constant 0 : i32
          scf.yield %while3A_307 : i32
        }
        %cond3A_184 = arith.constant 0 : i32
        scf.yield %cond3A_184 : i32
      } else {
        %cond3A_171 = arith.constant 0 : i32
        scf.yield %cond3A_171 : i32
      }
      %while3A_170 = arith.constant 0 : i32
      scf.yield %while3A_170 : i32
    }
    %while3A_32 = arith.constant 1 : i32
    %while3A_33 = scf.for %while3A_34 = %while3A_29 to %while3A_25 step %while3A_32 iter_args(%while3A_35 = %while3A_31) -> (i32)  : i32 {
      %get3A_36 = arith.index_cast %while3A_34 : i32 to index
      %get3A_37 = arith.constant 0 : index
      %get3A_38 = arith.constant 0 : index
      %get3A_39 = vector.load %arg0[%get3A_36, %get3A_37, %get3A_38] : memref<20x8x1024xf32, #tpu.memory_space<vmem>>, vector<1x8x1024xf32>
      %get3A_40 = vector.shape_cast %get3A_39 : vector<1x8x1024xf32> to vector<8x1024xf32>
      %get3A_41 = arith.index_cast %while3A_34 : i32 to index
      %get3A_42 = arith.constant 0 : index
      %get3A_43 = arith.constant 0 : index
      %get3A_44 = vector.load %arg1[%get3A_41, %get3A_42, %get3A_43] : memref<20x1024x8xf32, #tpu.memory_space<vmem>>, vector<1x1024x8xf32>
      %get3A_45 = vector.shape_cast %get3A_44 : vector<1x1024x8xf32> to vector<1024x8xf32>
      %slice3A = vector.extract_strided_slice %get3A_40 {offsets = [0, 0], sizes = [1, 1024], strides = [1, 1]} : vector<8x1024xf32> to vector<1x1024xf32>
      %slice3A_46 = vector.extract_strided_slice %get3A_40 {offsets = [1, 0], sizes = [1, 1024], strides = [1, 1]} : vector<8x1024xf32> to vector<1x1024xf32>
      %slice3A_47 = vector.extract_strided_slice %get3A_40 {offsets = [2, 0], sizes = [1, 1024], strides = [1, 1]} : vector<8x1024xf32> to vector<1x1024xf32>
      %slice3A_48 = vector.extract_strided_slice %get3A_40 {offsets = [3, 0], sizes = [1, 1024], strides = [1, 1]} : vector<8x1024xf32> to vector<1x1024xf32>
      %slice3A_49 = vector.extract_strided_slice %get3A_40 {offsets = [4, 0], sizes = [1, 1024], strides = [1, 1]} : vector<8x1024xf32> to vector<1x1024xf32>
      %slice3A_50 = vector.extract_strided_slice %get3A_45 {offsets = [0, 0], sizes = [512, 1], strides = [1, 1]} : vector<1024x8xf32> to vector<512x1xf32>
      %slice3A_51 = vector.extract_strided_slice %get3A_45 {offsets = [0, 1], sizes = [512, 1], strides = [1, 1]} : vector<1024x8xf32> to vector<512x1xf32>
      %slice3A_52 = vector.extract_strided_slice %get3A_45 {offsets = [0, 2], sizes = [512, 1], strides = [1, 1]} : vector<1024x8xf32> to vector<512x1xf32>
      %slice3A_53 = vector.extract_strided_slice %get3A_45 {offsets = [0, 3], sizes = [512, 1], strides = [1, 1]} : vector<1024x8xf32> to vector<512x1xf32>
      %slice3A_54 = vector.extract_strided_slice %get3A_45 {offsets = [0, 4], sizes = [512, 1], strides = [1, 1]} : vector<1024x8xf32> to vector<512x1xf32>
      %min3A = vector.broadcast %slice3A_52 : vector<512x1xf32> to vector<512x1024xf32>
      %min3A_55 = vector.broadcast %slice3A_47 : vector<1x1024xf32> to vector<512x1024xf32>
      %min3A_56 = arith.minimumf %min3A, %min3A_55 : vector<512x1024xf32>
      %max3A = vector.broadcast %slice3A_50 : vector<512x1xf32> to vector<512x1024xf32>
      %max3A_57 = vector.broadcast %slice3A : vector<1x1024xf32> to vector<512x1024xf32>
      %max3A_58 = arith.maximumf %max3A, %max3A_57 : vector<512x1024xf32>
      %sub3A_59 = arith.subf %min3A_56, %max3A_58 : vector<512x1024xf32>
      %max3A_60 = arith.constant 0.000000e+00 : f32
      %max3A_61 = vector.broadcast %max3A_60 : f32 to vector<512x1024xf32>
      %max3A_62 = arith.maximumf %sub3A_59, %max3A_61 : vector<512x1024xf32>
      %min3A_63 = vector.broadcast %slice3A_53 : vector<512x1xf32> to vector<512x1024xf32>
      %min3A_64 = vector.broadcast %slice3A_48 : vector<1x1024xf32> to vector<512x1024xf32>
      %min3A_65 = arith.minimumf %min3A_63, %min3A_64 : vector<512x1024xf32>
      %max3A_66 = vector.broadcast %slice3A_51 : vector<512x1xf32> to vector<512x1024xf32>
      %max3A_67 = vector.broadcast %slice3A_46 : vector<1x1024xf32> to vector<512x1024xf32>
      %max3A_68 = arith.maximumf %max3A_66, %max3A_67 : vector<512x1024xf32>
      %sub3A_69 = arith.subf %min3A_65, %max3A_68 : vector<512x1024xf32>
      %max3A_70 = arith.constant 0.000000e+00 : f32
      %max3A_71 = vector.broadcast %max3A_70 : f32 to vector<512x1024xf32>
      %max3A_72 = arith.maximumf %sub3A_69, %max3A_71 : vector<512x1024xf32>
      %mul3A = arith.mulf %max3A_62, %max3A_72 : vector<512x1024xf32>
      %add3A_73 = vector.broadcast %slice3A_54 : vector<512x1xf32> to vector<512x1024xf32>
      %add3A_74 = vector.broadcast %slice3A_49 : vector<1x1024xf32> to vector<512x1024xf32>
      %add3A_75 = arith.addf %add3A_73, %add3A_74 : vector<512x1024xf32>
      %sub3A_76 = arith.subf %add3A_75, %mul3A : vector<512x1024xf32>
      %max3A_77 = arith.constant 9.99999993E-9 : f32
      %max3A_78 = vector.broadcast %max3A_77 : f32 to vector<512x1024xf32>
      %max3A_79 = arith.maximumf %sub3A_76, %max3A_78 : vector<512x1024xf32>
      %div3A_80 = arith.divf %mul3A, %max3A_79 : vector<512x1024xf32>
      %iota3A = tpu.iota {dimensions = array<i32: 0>} : vector<512x1024xi32>
      %add3A_81 = arith.constant 0 : i32
      %add3A_82 = vector.broadcast %add3A_81 : i32 to vector<512x1024xi32>
      %add3A_83 = arith.addi %iota3A, %add3A_82 : vector<512x1024xi32>
      %iota3A_84 = tpu.iota {dimensions = array<i32: 1>} : vector<512x1024xi32>
      %gt3A = arith.constant 5.000000e-01 : f32
      %gt3A_85 = vector.broadcast %gt3A : f32 to vector<512x1024xf32>
      %gt3A_86 = arith.cmpf ogt, %div3A_80, %gt3A_85 : vector<512x1024xf32>
      %lt3A = arith.cmpi slt, %add3A_83, %iota3A_84 : vector<512x1024xi32>
      %and3A_87 = arith.andi %gt3A_86, %lt3A : vector<512x1024xi1>
      %jit3A_88 = arith.constant 1.000000e+00 : f32
      %jit3A_89 = arith.constant 0.000000e+00 : f32
      %broadcast_in_dim3A_90 = vector.broadcast %jit3A_88 : f32 to vector<512x1024xf32>
      %broadcast_in_dim3A_91 = vector.broadcast %jit3A_89 : f32 to vector<512x1024xf32>
      %select_n3A_92 = arith.select %and3A_87, %broadcast_in_dim3A_90, %broadcast_in_dim3A_91 : vector<512x1024xi1>, vector<512x1024xf32>
      %swap3A_93 = arith.constant 0 : index
      %swap3A_94 = arith.constant 0 : index
      %swap3A_95 = vector.load %arg4[%swap3A_93, %swap3A_94] : memref<1024x1024xf32, #tpu.memory_space<vmem>>, vector<512x1024xf32>
      tpu.vector_store %arg4[%swap3A_93, %swap3A_94], %select_n3A_92 {strides = array<i32>} : memref<1024x1024xf32, #tpu.memory_space<vmem>>, vector<512x1024xf32>,
      %slice3A_96 = vector.extract_strided_slice %get3A_45 {offsets = [512, 0], sizes = [512, 1], strides = [1, 1]} : vector<1024x8xf32> to vector<512x1xf32>
      %slice3A_97 = vector.extract_strided_slice %get3A_45 {offsets = [512, 1], sizes = [512, 1], strides = [1, 1]} : vector<1024x8xf32> to vector<512x1xf32>
      %slice3A_98 = vector.extract_strided_slice %get3A_45 {offsets = [512, 2], sizes = [512, 1], strides = [1, 1]} : vector<1024x8xf32> to vector<512x1xf32>
      %slice3A_99 = vector.extract_strided_slice %get3A_45 {offsets = [512, 3], sizes = [512, 1], strides = [1, 1]} : vector<1024x8xf32> to vector<512x1xf32>
      %slice3A_100 = vector.extract_strided_slice %get3A_45 {offsets = [512, 4], sizes = [512, 1], strides = [1, 1]} : vector<1024x8xf32> to vector<512x1xf32>
      %min3A_101 = vector.broadcast %slice3A_98 : vector<512x1xf32> to vector<512x1024xf32>
      %min3A_102 = vector.broadcast %slice3A_47 : vector<1x1024xf32> to vector<512x1024xf32>
      %min3A_103 = arith.minimumf %min3A_101, %min3A_102 : vector<512x1024xf32>
      %max3A_104 = vector.broadcast %slice3A_96 : vector<512x1xf32> to vector<512x1024xf32>
      %max3A_105 = vector.broadcast %slice3A : vector<1x1024xf32> to vector<512x1024xf32>
      %max3A_106 = arith.maximumf %max3A_104, %max3A_105 : vector<512x1024xf32>
      %sub3A_107 = arith.subf %min3A_103, %max3A_106 : vector<512x1024xf32>
      %max3A_108 = arith.constant 0.000000e+00 : f32
      %max3A_109 = vector.broadcast %max3A_108 : f32 to vector<512x1024xf32>
      %max3A_110 = arith.maximumf %sub3A_107, %max3A_109 : vector<512x1024xf32>
      %min3A_111 = vector.broadcast %slice3A_99 : vector<512x1xf32> to vector<512x1024xf32>
      %min3A_112 = vector.broadcast %slice3A_48 : vector<1x1024xf32> to vector<512x1024xf32>
      %min3A_113 = arith.minimumf %min3A_111, %min3A_112 : vector<512x1024xf32>
      %max3A_114 = vector.broadcast %slice3A_97 : vector<512x1xf32> to vector<512x1024xf32>
      %max3A_115 = vector.broadcast %slice3A_46 : vector<1x1024xf32> to vector<512x1024xf32>
      %max3A_116 = arith.maximumf %max3A_114, %max3A_115 : vector<512x1024xf32>
      %sub3A_117 = arith.subf %min3A_113, %max3A_116 : vector<512x1024xf32>
      %max3A_118 = arith.constant 0.000000e+00 : f32
      %max3A_119 = vector.broadcast %max3A_118 : f32 to vector<512x1024xf32>
      %max3A_120 = arith.maximumf %sub3A_117, %max3A_119 : vector<512x1024xf32>
      %mul3A_121 = arith.mulf %max3A_110, %max3A_120 : vector<512x1024xf32>
      %add3A_122 = vector.broadcast %slice3A_100 : vector<512x1xf32> to vector<512x1024xf32>
      %add3A_123 = vector.broadcast %slice3A_49 : vector<1x1024xf32> to vector<512x1024xf32>
      %add3A_124 = arith.addf %add3A_122, %add3A_123 : vector<512x1024xf32>
      %sub3A_125 = arith.subf %add3A_124, %mul3A_121 : vector<512x1024xf32>
      %max3A_126 = arith.constant 9.99999993E-9 : f32
      %max3A_127 = vector.broadcast %max3A_126 : f32 to vector<512x1024xf32>
      %max3A_128 = arith.maximumf %sub3A_125, %max3A_127 : vector<512x1024xf32>
      %div3A_129 = arith.divf %mul3A_121, %max3A_128 : vector<512x1024xf32>
      %iota3A_130 = tpu.iota {dimensions = array<i32: 0>} : vector<512x1024xi32>
      %add3A_131 = arith.constant 512 : i32
      %add3A_132 = vector.broadcast %add3A_131 : i32 to vector<512x1024xi32>
      %add3A_133 = arith.addi %iota3A_130, %add3A_132 : vector<512x1024xi32>
      %iota3A_134 = tpu.iota {dimensions = array<i32: 1>} : vector<512x1024xi32>
      %gt3A_135 = arith.constant 5.000000e-01 : f32
      %gt3A_136 = vector.broadcast %gt3A_135 : f32 to vector<512x1024xf32>
      %gt3A_137 = arith.cmpf ogt, %div3A_129, %gt3A_136 : vector<512x1024xf32>
      %lt3A_138 = arith.cmpi slt, %add3A_133, %iota3A_134 : vector<512x1024xi32>
      %and3A_139 = arith.andi %gt3A_137, %lt3A_138 : vector<512x1024xi1>
      %jit3A_140 = arith.constant 1.000000e+00 : f32
      %jit3A_141 = arith.constant 0.000000e+00 : f32
      %broadcast_in_dim3A_142 = vector.broadcast %jit3A_140 : f32 to vector<512x1024xf32>
      %broadcast_in_dim3A_143 = vector.broadcast %jit3A_141 : f32 to vector<512x1024xf32>
      %select_n3A_144 = arith.select %and3A_139, %broadcast_in_dim3A_142, %broadcast_in_dim3A_143 : vector<512x1024xi1>, vector<512x1024xf32>
      %swap3A_145 = arith.constant 512 : index
      %swap3A_146 = arith.constant 0 : index
      %swap3A_147 = vector.load %arg4[%swap3A_145, %swap3A_146] : memref<1024x1024xf32, #tpu.memory_space<vmem>>, vector<512x1024xf32>
      tpu.vector_store %arg4[%swap3A_145, %swap3A_146], %select_n3A_144 {strides = array<i32>} : memref<1024x1024xf32, #tpu.memory_space<vmem>>, vector<512x1024xf32>,
      %get3A_148 = arith.index_cast %while3A_34 : i32 to index
      %get3A_149 = arith.constant 0 : index
      %get3A_150 = arith.constant 0 : index
      %get3A_151 = vector.load %arg3[%get3A_148, %get3A_149, %get3A_150] : memref<20x1x1024xf32, #tpu.memory_space<vmem>>, vector<1x1x1024xf32>
      %get3A_152 = vector.shape_cast %get3A_151 : vector<1x1x1024xf32> to vector<1x1024xf32>
      %while3A_153 = arith.constant true
      %while3A_154:2 = scf.while (%while3A_171 = %get3A_152, %while3A_172 = %while3A_153) : (vector<1x1024xf32>, i1) -> (vector<1x1024xf32>, i1) {
        scf.condition(%while3A_172) %while3A_171, %while3A_172 : vector<1x1024xf32>, i1
      } do {
      ^bb0(%while3A_171: vector<1x1024xf32>, %while3A_172: i1):
        %get3A_173 = arith.constant 0 : index
        %get3A_174 = arith.constant 0 : index
        %get3A_175 = vector.load %arg4[%get3A_173, %get3A_174] : memref<1024x1024xf32, #tpu.memory_space<vmem>>, vector<1024x1024xf32>
        %dot_general3A = arith.constant dense<0.000000e+00> : vector<1x1024xf32>
        %dot_general3A_176 = tpu.matmul %while3A_171, %get3A_175, %dot_general3A {dimension_numbers = #tpu.dot_dimension_numbers<[1], [0], [0], [1], [0, 0, 1, 1], [], []>, transpose_lhs_hint = false} : vector<1x1024xf32>, vector<1024x1024xf32>, vector<1x1024xf32> -> vector<1x1024xf32>
        %gt3A_177 = arith.constant 5.000000e-01 : f32
        %gt3A_178 = vector.broadcast %gt3A_177 : f32 to vector<1x1024xf32>
        %gt3A_179 = arith.cmpf ogt, %dot_general3A_176, %gt3A_178 : vector<1x1024xf32>
        %jit3A_180 = arith.constant 0.000000e+00 : f32
        %broadcast_in_dim3A_181 = vector.broadcast %jit3A_180 : f32 to vector<1x1024xf32>
        %select_n3A_182 = arith.select %gt3A_179, %broadcast_in_dim3A_181, %get3A_152 : vector<1x1024xi1>, vector<1x1024xf32>
        %ne3A_183 = arith.cmpf one, %select_n3A_182, %while3A_171 : vector<1x1024xf32>
        %reduce_or3A = arith.constant 1.000000e+00 : f32
        %reduce_or3A_184 = arith.constant 0.000000e+00 : f32
        %reduce_or3A_185 = vector.broadcast %reduce_or3A : f32 to vector<1x1024xf32>
        %reduce_or3A_186 = vector.broadcast %reduce_or3A_184 : f32 to vector<1x1024xf32>
        %reduce_or3A_187 = arith.select %ne3A_183, %reduce_or3A_185, %reduce_or3A_186 : vector<1x1024xi1>, vector<1x1024xf32>
        %reduce_or3A_188 = vector.shape_cast %reduce_or3A_187 : vector<1x1024xf32> to vector<1x1x1024xf32>
        %reduce_or3A_189 = arith.constant dense<0xFF800000> : vector<1xf32>
        %reduce_or3A_190 = vector.multi_reduction <maximumf>, %reduce_or3A_188, %reduce_or3A_189 [1, 2] : vector<1x1x1024xf32> to vector<1xf32>
        %reduce_or3A_191 = vector.shape_cast %reduce_or3A_190 : vector<1xf32> to vector<1x1x1xf32>
        %reduce_or3A_192 = vector.extract %reduce_or3A_191[0, 0, 0] : f32 from vector<1x1x1xf32>
        %reduce_or3A_193 = arith.constant 0.000000e+00 : f32
        %reduce_or3A_194 = arith.cmpf ogt, %reduce_or3A_192, %reduce_or3A_193 : f32
        scf.yield %select_n3A_182, %reduce_or3A_194 : vector<1x1024xf32>, i1
      }
      %swap3A_155 = arith.index_cast %while3A_34 : i32 to index
      %swap3A_156 = arith.constant 0 : index
      %swap3A_157 = arith.constant 0 : index
      %swap3A_158 = vector.load %arg3[%swap3A_155, %swap3A_156, %swap3A_157] : memref<20x1x1024xf32, #tpu.memory_space<vmem>>, vector<1x1x1024xf32>
      %swap3A_159 = vector.shape_cast %swap3A_158 : vector<1x1x1024xf32> to vector<1x1024xf32>
      %swap3A_160 = vector.shape_cast %while3A_154#0 : vector<1x1024xf32> to vector<1x1x1024xf32>
      tpu.vector_store %arg3[%swap3A_155, %swap3A_156, %swap3A_157], %swap3A_160 {strides = array<i32>} : memref<20x1x1024xf32, #tpu.memory_space<vmem>>, vector<1x1x1024xf32>,
      %reduce_sum3A = vector.shape_cast %while3A_154#0 : vector<1x1024xf32> to vector<1x1x1024xf32>
      %reduce_sum3A_161 = arith.constant dense<0.000000e+00> : vector<1xf32>
      %reduce_sum3A_162 = vector.multi_reduction <add>, %reduce_sum3A, %reduce_sum3A_161 [1, 2] : vector<1x1x1024xf32> to vector<1xf32>
      %reduce_sum3A_163 = vector.shape_cast %reduce_sum3A_162 : vector<1xf32> to vector<1x1x1xf32>
      %reduce_sum3A_164 = vector.extract %reduce_sum3A_163[0, 0, 0] : f32 from vector<1x1x1xf32>
      %gt3A_165 = arith.constant 0.000000e+00 : f32
      %gt3A_166 = arith.cmpf ogt, %reduce_sum3A_164, %gt3A_165 : f32
      %convert_element_type3A = arith.extui %gt3A_166 : i1 to i32
      %cond3A = arith.constant 0 : i32
      %cond3A_167 = arith.constant 0 : i32
      %cond3A_168 = arith.cmpi ne, %convert_element_type3A, %cond3A_167 : i32
      %cond3A_169 = scf.if %cond3A_168 -> (i32) {
        %add3A_171 = arith.constant 1 : i32
        %add3A_172 = arith.addi %while3A_34, %add3A_171 : i32
        %while3A_173 = arith.constant 0 : i32
        %while3A_174 = arith.subi %select_n3A, %add3A_172 : i32
        %while3A_175 = arith.addi %add3A_172, %while3A_174 : i32
        %while3A_176 = arith.constant 1 : i32
        %while3A_177 = arith.divsi %while3A_174, %while3A_176 : i32
        %while3A_178 = arith.muli %while3A_177, %while3A_176 : i32
        %while3A_179 = arith.addi %add3A_172, %while3A_178 : i32
        %while3A_180 = arith.constant 1 : i32
        %while3A_181 = scf.for %while3A_185 = %add3A_172 to %while3A_179 step %while3A_180 iter_args(%while3A_186 = %while3A_173) -> (i32)  : i32 {
          %get3A_187 = arith.index_cast %while3A_185 : i32 to index
          %get3A_188 = arith.constant 0 : index
          %get3A_189 = arith.constant 0 : index
          %get3A_190 = vector.load %arg0[%get3A_187, %get3A_188, %get3A_189] : memref<20x8x1024xf32, #tpu.memory_space<vmem>>, vector<1x8x1024xf32>
          %get3A_191 = vector.shape_cast %get3A_190 : vector<1x8x1024xf32> to vector<8x1024xf32>
          %slice3A_192 = vector.extract_strided_slice %get3A_191 {offsets = [0, 0], sizes = [1, 1024], strides = [1, 1]} : vector<8x1024xf32> to vector<1x1024xf32>
          %slice3A_193 = vector.extract_strided_slice %get3A_191 {offsets = [1, 0], sizes = [1, 1024], strides = [1, 1]} : vector<8x1024xf32> to vector<1x1024xf32>
          %slice3A_194 = vector.extract_strided_slice %get3A_191 {offsets = [2, 0], sizes = [1, 1024], strides = [1, 1]} : vector<8x1024xf32> to vector<1x1024xf32>
          %slice3A_195 = vector.extract_strided_slice %get3A_191 {offsets = [3, 0], sizes = [1, 1024], strides = [1, 1]} : vector<8x1024xf32> to vector<1x1024xf32>
          %slice3A_196 = vector.extract_strided_slice %get3A_191 {offsets = [4, 0], sizes = [1, 1024], strides = [1, 1]} : vector<8x1024xf32> to vector<1x1024xf32>
          %broadcast_in_dim3A_197 = arith.constant 0.000000e+00 : f32
          %broadcast_in_dim3A_198 = vector.broadcast %broadcast_in_dim3A_197 : f32 to vector<1x1024xf32>
          %slice3A_199 = vector.extract_strided_slice %get3A_45 {offsets = [0, 0], sizes = [512, 1], strides = [1, 1]} : vector<1024x8xf32> to vector<512x1xf32>
          %slice3A_200 = vector.extract_strided_slice %get3A_45 {offsets = [0, 1], sizes = [512, 1], strides = [1, 1]} : vector<1024x8xf32> to vector<512x1xf32>
          %slice3A_201 = vector.extract_strided_slice %get3A_45 {offsets = [0, 2], sizes = [512, 1], strides = [1, 1]} : vector<1024x8xf32> to vector<512x1xf32>
          %slice3A_202 = vector.extract_strided_slice %get3A_45 {offsets = [0, 3], sizes = [512, 1], strides = [1, 1]} : vector<1024x8xf32> to vector<512x1xf32>
          %slice3A_203 = vector.extract_strided_slice %get3A_45 {offsets = [0, 4], sizes = [512, 1], strides = [1, 1]} : vector<1024x8xf32> to vector<512x1xf32>
          %min3A_204 = vector.broadcast %slice3A_201 : vector<512x1xf32> to vector<512x1024xf32>
          %min3A_205 = vector.broadcast %slice3A_194 : vector<1x1024xf32> to vector<512x1024xf32>
          %min3A_206 = arith.minimumf %min3A_204, %min3A_205 : vector<512x1024xf32>
          %max3A_207 = vector.broadcast %slice3A_199 : vector<512x1xf32> to vector<512x1024xf32>
          %max3A_208 = vector.broadcast %slice3A_192 : vector<1x1024xf32> to vector<512x1024xf32>
          %max3A_209 = arith.maximumf %max3A_207, %max3A_208 : vector<512x1024xf32>
          %sub3A_210 = arith.subf %min3A_206, %max3A_209 : vector<512x1024xf32>
          %max3A_211 = arith.constant 0.000000e+00 : f32
          %max3A_212 = vector.broadcast %max3A_211 : f32 to vector<512x1024xf32>
          %max3A_213 = arith.maximumf %sub3A_210, %max3A_212 : vector<512x1024xf32>
          %min3A_214 = vector.broadcast %slice3A_202 : vector<512x1xf32> to vector<512x1024xf32>
          %min3A_215 = vector.broadcast %slice3A_195 : vector<1x1024xf32> to vector<512x1024xf32>
          %min3A_216 = arith.minimumf %min3A_214, %min3A_215 : vector<512x1024xf32>
          %max3A_217 = vector.broadcast %slice3A_200 : vector<512x1xf32> to vector<512x1024xf32>
          %max3A_218 = vector.broadcast %slice3A_193 : vector<1x1024xf32> to vector<512x1024xf32>
          %max3A_219 = arith.maximumf %max3A_217, %max3A_218 : vector<512x1024xf32>
          %sub3A_220 = arith.subf %min3A_216, %max3A_219 : vector<512x1024xf32>
          %max3A_221 = arith.constant 0.000000e+00 : f32
          %max3A_222 = vector.broadcast %max3A_221 : f32 to vector<512x1024xf32>
          %max3A_223 = arith.maximumf %sub3A_220, %max3A_222 : vector<512x1024xf32>
          %mul3A_224 = arith.mulf %max3A_213, %max3A_223 : vector<512x1024xf32>
          %add3A_225 = vector.broadcast %slice3A_203 : vector<512x1xf32> to vector<512x1024xf32>
          %add3A_226 = vector.broadcast %slice3A_196 : vector<1x1024xf32> to vector<512x1024xf32>
          %add3A_227 = arith.addf %add3A_225, %add3A_226 : vector<512x1024xf32>
          %sub3A_228 = arith.subf %add3A_227, %mul3A_224 : vector<512x1024xf32>
          %max3A_229 = arith.constant 9.99999993E-9 : f32
          %max3A_230 = vector.broadcast %max3A_229 : f32 to vector<512x1024xf32>
          %max3A_231 = arith.maximumf %sub3A_228, %max3A_230 : vector<512x1024xf32>
          %div3A_232 = arith.divf %mul3A_224, %max3A_231 : vector<512x1024xf32>
          %gt3A_233 = arith.constant 5.000000e-01 : f32
          %gt3A_234 = vector.broadcast %gt3A_233 : f32 to vector<512x1024xf32>
          %gt3A_235 = arith.cmpf ogt, %div3A_232, %gt3A_234 : vector<512x1024xf32>
          %jit3A_236 = arith.constant 1.000000e+00 : f32
          %jit3A_237 = arith.constant 0.000000e+00 : f32
          %broadcast_in_dim3A_238 = vector.broadcast %jit3A_236 : f32 to vector<512x1024xf32>
          %broadcast_in_dim3A_239 = vector.broadcast %jit3A_237 : f32 to vector<512x1024xf32>
          %select_n3A_240 = arith.select %gt3A_235, %broadcast_in_dim3A_238, %broadcast_in_dim3A_239 : vector<512x1024xi1>, vector<512x1024xf32>
          %slice3A_241 = vector.extract_strided_slice %while3A_154#0 {offsets = [0, 0], sizes = [1, 512], strides = [1, 1]} : vector<1x1024xf32> to vector<1x512xf32>
          %dot_general3A = arith.constant dense<0.000000e+00> : vector<1x1024xf32>
          %dot_general3A_242 = tpu.matmul %slice3A_241, %select_n3A_240, %dot_general3A {dimension_numbers = #tpu.dot_dimension_numbers<[1], [0], [0], [1], [0, 0, 1, 1], [], []>, transpose_lhs_hint = false} : vector<1x512xf32>, vector<512x1024xf32>, vector<1x1024xf32> -> vector<1x1024xf32>
          %add3A_243 = arith.addf %broadcast_in_dim3A_198, %dot_general3A_242 : vector<1x1024xf32>
          %slice3A_244 = vector.extract_strided_slice %get3A_45 {offsets = [512, 0], sizes = [512, 1], strides = [1, 1]} : vector<1024x8xf32> to vector<512x1xf32>
          %slice3A_245 = vector.extract_strided_slice %get3A_45 {offsets = [512, 1], sizes = [512, 1], strides = [1, 1]} : vector<1024x8xf32> to vector<512x1xf32>
          %slice3A_246 = vector.extract_strided_slice %get3A_45 {offsets = [512, 2], sizes = [512, 1], strides = [1, 1]} : vector<1024x8xf32> to vector<512x1xf32>
          %slice3A_247 = vector.extract_strided_slice %get3A_45 {offsets = [512, 3], sizes = [512, 1], strides = [1, 1]} : vector<1024x8xf32> to vector<512x1xf32>
          %slice3A_248 = vector.extract_strided_slice %get3A_45 {offsets = [512, 4], sizes = [512, 1], strides = [1, 1]} : vector<1024x8xf32> to vector<512x1xf32>
          %min3A_249 = vector.broadcast %slice3A_246 : vector<512x1xf32> to vector<512x1024xf32>
          %min3A_250 = vector.broadcast %slice3A_194 : vector<1x1024xf32> to vector<512x1024xf32>
          %min3A_251 = arith.minimumf %min3A_249, %min3A_250 : vector<512x1024xf32>
          %max3A_252 = vector.broadcast %slice3A_244 : vector<512x1xf32> to vector<512x1024xf32>
          %max3A_253 = vector.broadcast %slice3A_192 : vector<1x1024xf32> to vector<512x1024xf32>
          %max3A_254 = arith.maximumf %max3A_252, %max3A_253 : vector<512x1024xf32>
          %sub3A_255 = arith.subf %min3A_251, %max3A_254 : vector<512x1024xf32>
          %max3A_256 = arith.constant 0.000000e+00 : f32
          %max3A_257 = vector.broadcast %max3A_256 : f32 to vector<512x1024xf32>
          %max3A_258 = arith.maximumf %sub3A_255, %max3A_257 : vector<512x1024xf32>
          %min3A_259 = vector.broadcast %slice3A_247 : vector<512x1xf32> to vector<512x1024xf32>
          %min3A_260 = vector.broadcast %slice3A_195 : vector<1x1024xf32> to vector<512x1024xf32>
          %min3A_261 = arith.minimumf %min3A_259, %min3A_260 : vector<512x1024xf32>
          %max3A_262 = vector.broadcast %slice3A_245 : vector<512x1xf32> to vector<512x1024xf32>
          %max3A_263 = vector.broadcast %slice3A_193 : vector<1x1024xf32> to vector<512x1024xf32>
          %max3A_264 = arith.maximumf %max3A_262, %max3A_263 : vector<512x1024xf32>
          %sub3A_265 = arith.subf %min3A_261, %max3A_264 : vector<512x1024xf32>
          %max3A_266 = arith.constant 0.000000e+00 : f32
          %max3A_267 = vector.broadcast %max3A_266 : f32 to vector<512x1024xf32>
          %max3A_268 = arith.maximumf %sub3A_265, %max3A_267 : vector<512x1024xf32>
          %mul3A_269 = arith.mulf %max3A_258, %max3A_268 : vector<512x1024xf32>
          %add3A_270 = vector.broadcast %slice3A_248 : vector<512x1xf32> to vector<512x1024xf32>
          %add3A_271 = vector.broadcast %slice3A_196 : vector<1x1024xf32> to vector<512x1024xf32>
          %add3A_272 = arith.addf %add3A_270, %add3A_271 : vector<512x1024xf32>
          %sub3A_273 = arith.subf %add3A_272, %mul3A_269 : vector<512x1024xf32>
          %max3A_274 = arith.constant 9.99999993E-9 : f32
          %max3A_275 = vector.broadcast %max3A_274 : f32 to vector<512x1024xf32>
          %max3A_276 = arith.maximumf %sub3A_273, %max3A_275 : vector<512x1024xf32>
          %div3A_277 = arith.divf %mul3A_269, %max3A_276 : vector<512x1024xf32>
          %gt3A_278 = arith.constant 5.000000e-01 : f32
          %gt3A_279 = vector.broadcast %gt3A_278 : f32 to vector<512x1024xf32>
          %gt3A_280 = arith.cmpf ogt, %div3A_277, %gt3A_279 : vector<512x1024xf32>
          %jit3A_281 = arith.constant 1.000000e+00 : f32
          %jit3A_282 = arith.constant 0.000000e+00 : f32
          %broadcast_in_dim3A_283 = vector.broadcast %jit3A_281 : f32 to vector<512x1024xf32>
          %broadcast_in_dim3A_284 = vector.broadcast %jit3A_282 : f32 to vector<512x1024xf32>
          %select_n3A_285 = arith.select %gt3A_280, %broadcast_in_dim3A_283, %broadcast_in_dim3A_284 : vector<512x1024xi1>, vector<512x1024xf32>
          %slice3A_286 = vector.extract_strided_slice %while3A_154#0 {offsets = [0, 512], sizes = [1, 512], strides = [1, 1]} : vector<1x1024xf32> to vector<1x512xf32>
          %dot_general3A_287 = arith.constant dense<0.000000e+00> : vector<1x1024xf32>
          %dot_general3A_288 = tpu.matmul %slice3A_286, %select_n3A_285, %dot_general3A_287 {dimension_numbers = #tpu.dot_dimension_numbers<[1], [0], [0], [1], [0, 0, 1, 1], [], []>, transpose_lhs_hint = false} : vector<1x512xf32>, vector<512x1024xf32>, vector<1x1024xf32> -> vector<1x1024xf32>
          %add3A_289 = arith.addf %add3A_243, %dot_general3A_288 : vector<1x1024xf32>
          %gt3A_290 = arith.constant 5.000000e-01 : f32
          %gt3A_291 = vector.broadcast %gt3A_290 : f32 to vector<1x1024xf32>
          %gt3A_292 = arith.cmpf ogt, %add3A_289, %gt3A_291 : vector<1x1024xf32>
          %get3A_293 = arith.index_cast %while3A_185 : i32 to index
          %get3A_294 = arith.constant 0 : index
          %get3A_295 = arith.constant 0 : index
          %get3A_296 = vector.load %arg3[%get3A_293, %get3A_294, %get3A_295] : memref<20x1x1024xf32, #tpu.memory_space<vmem>>, vector<1x1x1024xf32>
          %get3A_297 = vector.shape_cast %get3A_296 : vector<1x1x1024xf32> to vector<1x1024xf32>
          %jit3A_298 = arith.constant 0.000000e+00 : f32
          %broadcast_in_dim3A_299 = vector.broadcast %jit3A_298 : f32 to vector<1x1024xf32>
          %select_n3A_300 = arith.select %gt3A_292, %broadcast_in_dim3A_299, %get3A_297 : vector<1x1024xi1>, vector<1x1024xf32>
          %swap3A_301 = arith.index_cast %while3A_185 : i32 to index
          %swap3A_302 = arith.constant 0 : index
          %swap3A_303 = arith.constant 0 : index
          %swap3A_304 = vector.load %arg3[%swap3A_301, %swap3A_302, %swap3A_303] : memref<20x1x1024xf32, #tpu.memory_space<vmem>>, vector<1x1x1024xf32>
          %swap3A_305 = vector.shape_cast %swap3A_304 : vector<1x1x1024xf32> to vector<1x1024xf32>
          %swap3A_306 = vector.shape_cast %select_n3A_300 : vector<1x1024xf32> to vector<1x1x1024xf32>
          tpu.vector_store %arg3[%swap3A_301, %swap3A_302, %swap3A_303], %swap3A_306 {strides = array<i32>} : memref<20x1x1024xf32, #tpu.memory_space<vmem>>, vector<1x1x1024xf32>,
          %while3A_307 = arith.constant 0 : i32
          scf.yield %while3A_307 : i32
        }
        %while3A_182 = arith.constant 1 : i32
        %while3A_183 = scf.for %while3A_185 = %while3A_179 to %while3A_175 step %while3A_182 iter_args(%while3A_186 = %while3A_181) -> (i32)  : i32 {
          %get3A_187 = arith.index_cast %while3A_185 : i32 to index
          %get3A_188 = arith.constant 0 : index
          %get3A_189 = arith.constant 0 : index
          %get3A_190 = vector.load %arg0[%get3A_187, %get3A_188, %get3A_189] : memref<20x8x1024xf32, #tpu.memory_space<vmem>>, vector<1x8x1024xf32>
          %get3A_191 = vector.shape_cast %get3A_190 : vector<1x8x1024xf32> to vector<8x1024xf32>
          %slice3A_192 = vector.extract_strided_slice %get3A_191 {offsets = [0, 0], sizes = [1, 1024], strides = [1, 1]} : vector<8x1024xf32> to vector<1x1024xf32>
          %slice3A_193 = vector.extract_strided_slice %get3A_191 {offsets = [1, 0], sizes = [1, 1024], strides = [1, 1]} : vector<8x1024xf32> to vector<1x1024xf32>
          %slice3A_194 = vector.extract_strided_slice %get3A_191 {offsets = [2, 0], sizes = [1, 1024], strides = [1, 1]} : vector<8x1024xf32> to vector<1x1024xf32>
          %slice3A_195 = vector.extract_strided_slice %get3A_191 {offsets = [3, 0], sizes = [1, 1024], strides = [1, 1]} : vector<8x1024xf32> to vector<1x1024xf32>
          %slice3A_196 = vector.extract_strided_slice %get3A_191 {offsets = [4, 0], sizes = [1, 1024], strides = [1, 1]} : vector<8x1024xf32> to vector<1x1024xf32>
          %broadcast_in_dim3A_197 = arith.constant 0.000000e+00 : f32
          %broadcast_in_dim3A_198 = vector.broadcast %broadcast_in_dim3A_197 : f32 to vector<1x1024xf32>
          %slice3A_199 = vector.extract_strided_slice %get3A_45 {offsets = [0, 0], sizes = [512, 1], strides = [1, 1]} : vector<1024x8xf32> to vector<512x1xf32>
          %slice3A_200 = vector.extract_strided_slice %get3A_45 {offsets = [0, 1], sizes = [512, 1], strides = [1, 1]} : vector<1024x8xf32> to vector<512x1xf32>
          %slice3A_201 = vector.extract_strided_slice %get3A_45 {offsets = [0, 2], sizes = [512, 1], strides = [1, 1]} : vector<1024x8xf32> to vector<512x1xf32>
          %slice3A_202 = vector.extract_strided_slice %get3A_45 {offsets = [0, 3], sizes = [512, 1], strides = [1, 1]} : vector<1024x8xf32> to vector<512x1xf32>
          %slice3A_203 = vector.extract_strided_slice %get3A_45 {offsets = [0, 4], sizes = [512, 1], strides = [1, 1]} : vector<1024x8xf32> to vector<512x1xf32>
          %min3A_204 = vector.broadcast %slice3A_201 : vector<512x1xf32> to vector<512x1024xf32>
          %min3A_205 = vector.broadcast %slice3A_194 : vector<1x1024xf32> to vector<512x1024xf32>
          %min3A_206 = arith.minimumf %min3A_204, %min3A_205 : vector<512x1024xf32>
          %max3A_207 = vector.broadcast %slice3A_199 : vector<512x1xf32> to vector<512x1024xf32>
          %max3A_208 = vector.broadcast %slice3A_192 : vector<1x1024xf32> to vector<512x1024xf32>
          %max3A_209 = arith.maximumf %max3A_207, %max3A_208 : vector<512x1024xf32>
          %sub3A_210 = arith.subf %min3A_206, %max3A_209 : vector<512x1024xf32>
          %max3A_211 = arith.constant 0.000000e+00 : f32
          %max3A_212 = vector.broadcast %max3A_211 : f32 to vector<512x1024xf32>
          %max3A_213 = arith.maximumf %sub3A_210, %max3A_212 : vector<512x1024xf32>
          %min3A_214 = vector.broadcast %slice3A_202 : vector<512x1xf32> to vector<512x1024xf32>
          %min3A_215 = vector.broadcast %slice3A_195 : vector<1x1024xf32> to vector<512x1024xf32>
          %min3A_216 = arith.minimumf %min3A_214, %min3A_215 : vector<512x1024xf32>
          %max3A_217 = vector.broadcast %slice3A_200 : vector<512x1xf32> to vector<512x1024xf32>
          %max3A_218 = vector.broadcast %slice3A_193 : vector<1x1024xf32> to vector<512x1024xf32>
          %max3A_219 = arith.maximumf %max3A_217, %max3A_218 : vector<512x1024xf32>
          %sub3A_220 = arith.subf %min3A_216, %max3A_219 : vector<512x1024xf32>
          %max3A_221 = arith.constant 0.000000e+00 : f32
          %max3A_222 = vector.broadcast %max3A_221 : f32 to vector<512x1024xf32>
          %max3A_223 = arith.maximumf %sub3A_220, %max3A_222 : vector<512x1024xf32>
          %mul3A_224 = arith.mulf %max3A_213, %max3A_223 : vector<512x1024xf32>
          %add3A_225 = vector.broadcast %slice3A_203 : vector<512x1xf32> to vector<512x1024xf32>
          %add3A_226 = vector.broadcast %slice3A_196 : vector<1x1024xf32> to vector<512x1024xf32>
          %add3A_227 = arith.addf %add3A_225, %add3A_226 : vector<512x1024xf32>
          %sub3A_228 = arith.subf %add3A_227, %mul3A_224 : vector<512x1024xf32>
          %max3A_229 = arith.constant 9.99999993E-9 : f32
          %max3A_230 = vector.broadcast %max3A_229 : f32 to vector<512x1024xf32>
          %max3A_231 = arith.maximumf %sub3A_228, %max3A_230 : vector<512x1024xf32>
          %div3A_232 = arith.divf %mul3A_224, %max3A_231 : vector<512x1024xf32>
          %gt3A_233 = arith.constant 5.000000e-01 : f32
          %gt3A_234 = vector.broadcast %gt3A_233 : f32 to vector<512x1024xf32>
          %gt3A_235 = arith.cmpf ogt, %div3A_232, %gt3A_234 : vector<512x1024xf32>
          %jit3A_236 = arith.constant 1.000000e+00 : f32
          %jit3A_237 = arith.constant 0.000000e+00 : f32
          %broadcast_in_dim3A_238 = vector.broadcast %jit3A_236 : f32 to vector<512x1024xf32>
          %broadcast_in_dim3A_239 = vector.broadcast %jit3A_237 : f32 to vector<512x1024xf32>
          %select_n3A_240 = arith.select %gt3A_235, %broadcast_in_dim3A_238, %broadcast_in_dim3A_239 : vector<512x1024xi1>, vector<512x1024xf32>
          %slice3A_241 = vector.extract_strided_slice %while3A_154#0 {offsets = [0, 0], sizes = [1, 512], strides = [1, 1]} : vector<1x1024xf32> to vector<1x512xf32>
          %dot_general3A = arith.constant dense<0.000000e+00> : vector<1x1024xf32>
          %dot_general3A_242 = tpu.matmul %slice3A_241, %select_n3A_240, %dot_general3A {dimension_numbers = #tpu.dot_dimension_numbers<[1], [0], [0], [1], [0, 0, 1, 1], [], []>, transpose_lhs_hint = false} : vector<1x512xf32>, vector<512x1024xf32>, vector<1x1024xf32> -> vector<1x1024xf32>
          %add3A_243 = arith.addf %broadcast_in_dim3A_198, %dot_general3A_242 : vector<1x1024xf32>
          %slice3A_244 = vector.extract_strided_slice %get3A_45 {offsets = [512, 0], sizes = [512, 1], strides = [1, 1]} : vector<1024x8xf32> to vector<512x1xf32>
          %slice3A_245 = vector.extract_strided_slice %get3A_45 {offsets = [512, 1], sizes = [512, 1], strides = [1, 1]} : vector<1024x8xf32> to vector<512x1xf32>
          %slice3A_246 = vector.extract_strided_slice %get3A_45 {offsets = [512, 2], sizes = [512, 1], strides = [1, 1]} : vector<1024x8xf32> to vector<512x1xf32>
          %slice3A_247 = vector.extract_strided_slice %get3A_45 {offsets = [512, 3], sizes = [512, 1], strides = [1, 1]} : vector<1024x8xf32> to vector<512x1xf32>
          %slice3A_248 = vector.extract_strided_slice %get3A_45 {offsets = [512, 4], sizes = [512, 1], strides = [1, 1]} : vector<1024x8xf32> to vector<512x1xf32>
          %min3A_249 = vector.broadcast %slice3A_246 : vector<512x1xf32> to vector<512x1024xf32>
          %min3A_250 = vector.broadcast %slice3A_194 : vector<1x1024xf32> to vector<512x1024xf32>
          %min3A_251 = arith.minimumf %min3A_249, %min3A_250 : vector<512x1024xf32>
          %max3A_252 = vector.broadcast %slice3A_244 : vector<512x1xf32> to vector<512x1024xf32>
          %max3A_253 = vector.broadcast %slice3A_192 : vector<1x1024xf32> to vector<512x1024xf32>
          %max3A_254 = arith.maximumf %max3A_252, %max3A_253 : vector<512x1024xf32>
          %sub3A_255 = arith.subf %min3A_251, %max3A_254 : vector<512x1024xf32>
          %max3A_256 = arith.constant 0.000000e+00 : f32
          %max3A_257 = vector.broadcast %max3A_256 : f32 to vector<512x1024xf32>
          %max3A_258 = arith.maximumf %sub3A_255, %max3A_257 : vector<512x1024xf32>
          %min3A_259 = vector.broadcast %slice3A_247 : vector<512x1xf32> to vector<512x1024xf32>
          %min3A_260 = vector.broadcast %slice3A_195 : vector<1x1024xf32> to vector<512x1024xf32>
          %min3A_261 = arith.minimumf %min3A_259, %min3A_260 : vector<512x1024xf32>
          %max3A_262 = vector.broadcast %slice3A_245 : vector<512x1xf32> to vector<512x1024xf32>
          %max3A_263 = vector.broadcast %slice3A_193 : vector<1x1024xf32> to vector<512x1024xf32>
          %max3A_264 = arith.maximumf %max3A_262, %max3A_263 : vector<512x1024xf32>
          %sub3A_265 = arith.subf %min3A_261, %max3A_264 : vector<512x1024xf32>
          %max3A_266 = arith.constant 0.000000e+00 : f32
          %max3A_267 = vector.broadcast %max3A_266 : f32 to vector<512x1024xf32>
          %max3A_268 = arith.maximumf %sub3A_265, %max3A_267 : vector<512x1024xf32>
          %mul3A_269 = arith.mulf %max3A_258, %max3A_268 : vector<512x1024xf32>
          %add3A_270 = vector.broadcast %slice3A_248 : vector<512x1xf32> to vector<512x1024xf32>
          %add3A_271 = vector.broadcast %slice3A_196 : vector<1x1024xf32> to vector<512x1024xf32>
          %add3A_272 = arith.addf %add3A_270, %add3A_271 : vector<512x1024xf32>
          %sub3A_273 = arith.subf %add3A_272, %mul3A_269 : vector<512x1024xf32>
          %max3A_274 = arith.constant 9.99999993E-9 : f32
          %max3A_275 = vector.broadcast %max3A_274 : f32 to vector<512x1024xf32>
          %max3A_276 = arith.maximumf %sub3A_273, %max3A_275 : vector<512x1024xf32>
          %div3A_277 = arith.divf %mul3A_269, %max3A_276 : vector<512x1024xf32>
          %gt3A_278 = arith.constant 5.000000e-01 : f32
          %gt3A_279 = vector.broadcast %gt3A_278 : f32 to vector<512x1024xf32>
          %gt3A_280 = arith.cmpf ogt, %div3A_277, %gt3A_279 : vector<512x1024xf32>
          %jit3A_281 = arith.constant 1.000000e+00 : f32
          %jit3A_282 = arith.constant 0.000000e+00 : f32
          %broadcast_in_dim3A_283 = vector.broadcast %jit3A_281 : f32 to vector<512x1024xf32>
          %broadcast_in_dim3A_284 = vector.broadcast %jit3A_282 : f32 to vector<512x1024xf32>
          %select_n3A_285 = arith.select %gt3A_280, %broadcast_in_dim3A_283, %broadcast_in_dim3A_284 : vector<512x1024xi1>, vector<512x1024xf32>
          %slice3A_286 = vector.extract_strided_slice %while3A_154#0 {offsets = [0, 512], sizes = [1, 512], strides = [1, 1]} : vector<1x1024xf32> to vector<1x512xf32>
          %dot_general3A_287 = arith.constant dense<0.000000e+00> : vector<1x1024xf32>
          %dot_general3A_288 = tpu.matmul %slice3A_286, %select_n3A_285, %dot_general3A_287 {dimension_numbers = #tpu.dot_dimension_numbers<[1], [0], [0], [1], [0, 0, 1, 1], [], []>, transpose_lhs_hint = false} : vector<1x512xf32>, vector<512x1024xf32>, vector<1x1024xf32> -> vector<1x1024xf32>
          %add3A_289 = arith.addf %add3A_243, %dot_general3A_288 : vector<1x1024xf32>
          %gt3A_290 = arith.constant 5.000000e-01 : f32
          %gt3A_291 = vector.broadcast %gt3A_290 : f32 to vector<1x1024xf32>
          %gt3A_292 = arith.cmpf ogt, %add3A_289, %gt3A_291 : vector<1x1024xf32>
          %get3A_293 = arith.index_cast %while3A_185 : i32 to index
          %get3A_294 = arith.constant 0 : index
          %get3A_295 = arith.constant 0 : index
          %get3A_296 = vector.load %arg3[%get3A_293, %get3A_294, %get3A_295] : memref<20x1x1024xf32, #tpu.memory_space<vmem>>, vector<1x1x1024xf32>
          %get3A_297 = vector.shape_cast %get3A_296 : vector<1x1x1024xf32> to vector<1x1024xf32>
          %jit3A_298 = arith.constant 0.000000e+00 : f32
          %broadcast_in_dim3A_299 = vector.broadcast %jit3A_298 : f32 to vector<1x1024xf32>
          %select_n3A_300 = arith.select %gt3A_292, %broadcast_in_dim3A_299, %get3A_297 : vector<1x1024xi1>, vector<1x1024xf32>
          %swap3A_301 = arith.index_cast %while3A_185 : i32 to index
          %swap3A_302 = arith.constant 0 : index
          %swap3A_303 = arith.constant 0 : index
          %swap3A_304 = vector.load %arg3[%swap3A_301, %swap3A_302, %swap3A_303] : memref<20x1x1024xf32, #tpu.memory_space<vmem>>, vector<1x1x1024xf32>
          %swap3A_305 = vector.shape_cast %swap3A_304 : vector<1x1x1024xf32> to vector<1x1024xf32>
          %swap3A_306 = vector.shape_cast %select_n3A_300 : vector<1x1024xf32> to vector<1x1x1024xf32>
          tpu.vector_store %arg3[%swap3A_301, %swap3A_302, %swap3A_303], %swap3A_306 {strides = array<i32>} : memref<20x1x1024xf32, #tpu.memory_space<vmem>>, vector<1x1x1024xf32>,
          %while3A_307 = arith.constant 0 : i32
          scf.yield %while3A_307 : i32
        }
        %cond3A_184 = arith.constant 0 : i32
        scf.yield %cond3A_184 : i32
      } else {
        %cond3A_171 = arith.constant 0 : i32
        scf.yield %cond3A_171 : i32
      }
      %while3A_170 = arith.constant 0 : i32
      scf.yield %while3A_170 : i32
    }
    return
  }
}

</mosaic_0001>

<sc_bundles>
// kernel: gather_offload_async_start
scs
__scs_entry_jumppad:
0x0: {  	(pc) =	sbr.rel $0x88, $3  }
0x1: {  	(tag) =	ssettag $0x0;
	lr =	simm.s32 $0x1  }
0x2: {  	[smem:$0x3F9F] =	sst lr;
	_ =	strace $0xD0000000  }
0x3: {  	_ = 	snop  }
0x4: {  	_ = 	snop  }
0x5: {  	_ = 	snop  }
0x6: {  	_ = 	snop  }
0x7: {  	_ = 	snop  }
__scs_overlays_trampoline_lowered:
0x8: {  	[smem:$0x3FAE] =	sst s0  }
0x9: {  	[smem:$0x3FAF] =	sst s1  }
0xa: {  	[smem:$0x3FB0] =	sst s2  }
0xb: {  	[smem:$0x3FB1] =	sst s3  }
0xc: {  	[smem:$0x3FB2] =	sst s4  }
0xd: {  	[smem:$0x3FB3] =	sst s5  }
0xe: {  	[smem:$0x3FB4] =	sst s6  }
0xf: {  	[smem:$0x3FB5] =	sst s7  }
0x10: {  	[smem:$0x3FB6] =	sst s8  }
0x11: {  	[smem:$0x3FB7] =	sst s9;
	s0 =	simm.s32 @!p0 $0x0  }
0x12: {  	s1 =	sld [smem:$0x3F9D];
	s0 =	simm.s32 @p0 $0x1  }
0x13: {  	[smem:$0x3FB8] =	sst s0;
	s0 =	simm.s32 @!p1 $0x0  }
0x14: {  	s2 =	sld [smem:$0x3F9C];
	s0 =	simm.s32 @p1 $0x1  }
0x15: {  	[smem:$0x3FB9] =	sst s0;
	s0 =	simm.s32 @!p2 $0x0  }
0x16: {  	s3 =	sld [smem:$0x3FDB];
	s0 =	simm.s32 @p2 $0x1  }
0x17: {  	s4 =	simm.s32 $0x1BF5;
	[smem:$0x3FBB] =	sst s0  }
0x18: {  	s0 =	sld [smem:$0x3F9E];
	_ =	swait.ge [sflag:s4], $0x0  }
0x19: {  	s7 =	sld [smem:$0x3F9F]  }
0x1a: {  	s8 =	sadd.s32 $0xFFFFE003, lr  }
0x1b: {  	s9 =	sadd.s32 $0xFFFFFEF7, lr;
	s5 =	simm.s32 $0xFFFFFFFF;
	p2 =	slt.u32 s8, $0xFFFFF086  }
0x1c: {  	p1 =	slt.u32 s9, $0xF7A;
	s5 =	simm.s32 @!p2 $0x0  }
0x1d: {  	s5 =	simm.s32 @p1 $0x1;
	p0 =	seq.s32 s7, s2  }
0x1e: {  	s7 =	smul.u32 @!p0 $0xF7A, s2;
	p2 =	seq.s32 @!p0 s5, $0x0  }
0x1f: {  	s9 =	smul.u32 $0xF7A, s1;
	s8 =	simm.s32 @!p0 $0x1BF5;
	p2 =	por !p2, p0  }
0x20: {  	[sflag:s8] =	ssyncset.s32 @!p0 $0xFFFFF086;
	s6 =	sadd.s32 @!p0 s3, s7;
	s7 =	simm.s32 @!p0 $0x108  }
0x21: {  	s3 =	sadd.s32 s3, s9;
	s6 =	sadd.s32 @!p0 $0x88, s6;
	s7 =	simm.s32 @p2 $0x1082  }
0x22: {  	[simem:s7], [sflag:s8] =	dma.local @!p0 [hbm:s6], $0xF7A  }
0x23: {  	s9 =	sor.u32 $0xD0000000, s2;
	s6 =	simm.s32 $0x108;
	_ =	swait.ge @!p0 [sflag:s8], $0x0  }
0x24: {  	s3 =	sadd.s32 $0x88, s3;
	s6 =	simm.s32 @!p1 $0x1082;
	[sflag:s4] =	ssyncset.s32 $0xFFFFF086  }
0x25: {  	[simem:s6], [sflag:s4] =	dma.local [hbm:s3], $0xF7A  }
0x26: {  	[smem:$0x3F9F] =	sst s1;
	(tag) =	ssettag s2;
	_ =	strace s9  }
0x27: {  	s1 =	sld [smem:$0x3FAF]  }
0x28: {  	s2 =	sld [smem:$0x3FB0]  }
0x29: {  	s4 =	sld [smem:$0x3FB2]  }
0x2a: {  	p0 =	seq.s32 s5, $0x0;
	s5 =	sld [smem:$0x3FB3]  }
0x2b: {  	s6 =	sld [smem:$0x3FB4]  }
0x2c: {  	s7 =	sld [smem:$0x3FB5]  }
0x2d: {  	s3 =	simm.s32 $0x108;
	s8 =	sld [smem:$0x3FB6]  }
0x2e: {  	s3 =	simm.s32 @!p0 $0x1082;
	s9 =	sld [smem:$0x3FB7]  }
0x2f: {  	lr =	sadd.s32 s0, s3;
	s0 =	sld [smem:$0x3FAE]  }
0x30: {  	s3 =	sld [smem:$0x3FB1]  }
0x31: {  	[smem:$0x3FBA] =	sst s10  }
0x32: {  	s10 =	sld [smem:$0x3FB8];
	_ =	sdelay $0x3  }
0x33: {  	p0 =	seq.s32 s10, $0x1;
	s10 =	sld [smem:$0x3FBA];
	_ =	sdelay $0x3  }
0x34: {  	[smem:$0x3FBA] =	sst s10  }
0x35: {  	s10 =	sld [smem:$0x3FB9];
	_ =	sdelay $0x3  }
0x36: {  	p1 =	seq.s32 s10, $0x1;
	s10 =	sld [smem:$0x3FBA];
	_ =	sdelay $0x3  }
0x37: {  	[smem:$0x3FBA] =	sst s10  }
0x38: {  	s10 =	sld [smem:$0x3FBB]  }
0x39: {  	_ = 	snop;
	(pc) =	sbr.ind lr, $3  }
0x3a: {  	_ = 	snop  }
0x3b: {  	_ = 	snop  }
0x3c: {  	p2 =	seq.s32 s10, $0x1;
	s10 =	sld [smem:$0x3FBA]  }
0x3d: {  	_ =	shalt  }
0x3e: {  	_ =	shalt  }
0x3f: {  	_ =	shalt  }
0x40: {  	_ =	shalt  }
0x41: {  	_ =	shalt  }
0x42: {  	_ =	shalt  }
0x43: {  	_ =	shalt  }
0x44: {  	_ =	shalt  }
0x45: {  	_ =	shalt  }
0x46: {  	_ =	shalt  }
0x47: {  	_ =	shalt  }
0x48: {  	_ =	shalt  }
0x49: {  	_ =	shalt  }
0x4a: {  	_ =	shalt  }
0x4b: {  	_ =	shalt  }
0x4c: {  	_ =	shalt  }
0x4d: {  	_ =	shalt  }
0x4e: {  	_ =	shalt  }
0x4f: {  	_ =	shalt  }
0x50: {  	_ =	shalt  }
0x51: {  	_ =	shalt  }
0x52: {  	_ =	shalt  }
0x53: {  	_ =	shalt  }
0x54: {  	_ =	shalt  }
0x55: {  	_ =	shalt  }
0x56: {  	_ =	shalt  }
0x57: {  	_ =	shalt  }
0x58: {  	_ =	shalt  }
0x59: {  	_ =	shalt  }
0x5a: {  	_ =	shalt  }
0x5b: {  	_ =	shalt  }
0x5c: {  	_ =	shalt  }
0x5d: {  	_ =	shalt  }
0x5e: {  	_ =	shalt  }
0x5f: {  	_ =	shalt  }
0x60: {  	_ =	shalt  }
0x61: {  	_ =	shalt  }
0x62: {  	_ =	shalt  }
0x63: {  	_ =	shalt  }
0x64: {  	_ =	shalt  }
0x65: {  	_ =	shalt  }
0x66: {  	_ =	shalt  }
0x67: {  	_ =	shalt  }
0x68: {  	_ =	shalt  }
0x69: {  	_ =	shalt  }
0x6a: {  	_ =	shalt  }
0x6b: {  	_ =	shalt  }
0x6c: {  	_ =	shalt  }
0x6d: {  	_ =	shalt  }
0x6e: {  	_ =	shalt  }
0x6f: {  	_ =	shalt  }
0x70: {  	_ =	shalt  }
0x71: {  	_ =	shalt  }
0x72: {  	_ =	shalt  }
0x73: {  	_ =	shalt  }
0x74: {  	_ =	shalt  }
0x75: {  	_ =	shalt  }
0x76: {  	_ =	shalt  }
0x77: {  	_ =	shalt  }
0x78: {  	_ =	shalt  }
0x79: {  	_ =	shalt  }
0x7a: {  	_ =	shalt  }
0x7b: {  	_ =	shalt  }
0x7c: {  	_ =	shalt  }
0x7d: {  	_ =	shalt  }
0x7e: {  	_ =	shalt  }
0x7f: {  	_ =	shalt  }
0x80: {  	_ =	shalt  }
0x81: {  	_ =	shalt  }
0x82: {  	_ =	shalt  }
0x83: {  	_ =	shalt  }
0x84: {  	_ =	shalt  }
0x85: {  	_ =	shalt  }
0x86: {  	_ =	shalt  }
0x87: {  	_ =	shalt  }
.Lfunc_end0:
.L_simem_size_0:
called_computation_lowered:
.L_overlay_start_0:
0x88: {  	s2 =	sld [smem:$0x3FD9]  }
0x89: {  	s3 =	sld [smem:$0x3FFE];
	_ =	sdelay $0x1  }
0x8a: {  	s1 =	srdreg.scid  }
0x8b: {  	s0 =	sand.u32 $0x1, s1  }
0x8c: {  	s17 =	sshll.u32 s0, $0xA;
	s2 =	sadd.s32 s3, s2  }
0x8d: {  	s2 =	sadd.s32 s2, s17  }
0x8e: {  	[smem:$0x3FC6] =	sst s2  }
0x8f: {  	_ = 	snop  }
0x90: {  	s2 =	sld [smem:$0x3FD0];
	(tm) =	ssettm $0x1  }
0x91: {  	s18 =	sld [smem:$0x3FFB];
	_ =	sdelay $0x3  }
0x92: {  	_ =	strace s18  }
0x93: {  	s3 =	sld [smem:$0x3FFC];
	_ =	sdelay $0x3  }
0x94: {  	_ =	strace s3  }
0x95: {  	s3 =	sld [smem:$0x3FFD];
	_ =	sdelay $0x3  }
0x96: {  	_ =	strace s3  }
0x97: {  	_ =	strace $0x8FFFFFFF  }
0x98: {  	s19 =	sld [smem:$0x3FDB];
	_ =	sdelay $0x1  }
0x99: {  	s4 =	simm.s32 $_scs_section_size  }
0x9a: {  	s5 =	simm.s32 $_size__tile_overlayer_lowered;
	s6 =	simm.s32 $_tile_overlayer_lowered  }
0x9b: {  	s22 =	simm.s32 $0x1BFF;
	s21 =	sshll.u32 s6, $0x1;
	s3 =	sadd.s32 s4, s19  }
0x9c: {  	s7 =	simm.s32 $0x0;
	s20 =	sshll.u32 s5, $0x1;
	s5 =	sadd.s32 s21, s3  }
0x9d: {  	[timem:s7], [sflag:s22] =	dma.local [hbm:s5], s20  }
0x9e: {  	_ =	swait.ge [sflag:s22], s20  }
0x9f: {  	s4 =	ssub.s32 $0x0, s20;
	[sflag:s22] =	ssyncset.done $0x0  }
0xa0: {  	[sflag:s22] =	ssyncadd.s32 s4;
	_ =	sdelay $0x1  }
0xa1: {  	s23 =	simm.s32 $0x1B8B  }
0xa2: {  	_ =	swait.ge [sflag:s23], $0x1  }
0xa3: {  	[sflag:s23] =	ssyncset.done $0x0  }
0xa4: {  	s25 =	simm.s32 $0x1B8E;
	s24 =	sld [smem:$0x3FFE];
	[sflag:s23] =	ssyncadd.s32 $0xFFFFFFFF  }
0xa5: {  	s26 =	simm.s32 $execute0_lowered;
	[smem:$0x3FD2] =	sst s25  }
0xa6: {  	s5 =	sshll.u32 s26, $0x1;
	_ =	strace $0x80000049;
	[dreg:$0x1] =	wrdreg $0xFFFFFFFF  }
0xa7: {  	s28 =	simm.s32 $_size_execute0_lowered;
	s3 =	sadd.s32 s3, s5;
	[dreg:$0x0] =	wrdreg $0x0  }
0xa8: {  	s5 =	sshll.u32 s28, $0x1;
	[dreg:$0x2] =	wrdreg s3  }
0xa9: {  	[dreg:$0x3] =	wrdreg s5  }
0xaa: {  	[dreg:$0x4] =	wrdreg $0xC0  }
0xab: {  	_ =	task [dreg:s7], $0x5FFFF  }
0xac: {  	[dreg:$0x1] =	wrdreg $0xFFFFFFFF  }
0xad: {  	[dreg:$0x0] =	wrdreg $0x60  }
0xae: {  	[dreg:$0x2] =	wrdreg s2  }
0xaf: {  	[dreg:$0x3] =	wrdreg s24  }
0xb0: {  	[dreg:$0x4] =	wrdreg $0x9  }
0xb1: {  	_ =	task.clear_ibuf [dreg:s7], $0x5FFFF;
	_ =	strace $0x90000049  }
0xb2: {  	s29 =	simm.s32 $0x9;
	_ =	strace $0x8000004B  }
0xb3: {  	_ =	swait.ge [sflag:s29], $0x1  }
0xb4: {  	[sflag:s29] =	ssyncadd.s32 $0xFFFFFFFF  }
0xb5: {  	_ =	strace $0x9000004B  }
0xb6: {  	_ =	sfence  }
0xb7: {  	s30 =	sld [smem:$0x0];
	_ =	sdelay $0x2  }
0xb8: {  	s31 =	sshll.u32 s1, $0xD;
	s1 =	sshrl.u32 s1, $0x2  }
0xb9: {  	s3 =	sand.u32 $0x4000, s31;
	s1 =	sadd.s32 s1, s30  }
0xba: {  	s0 =	sor.u32 s3, s0;
	s1 =	sshll.u32 s1, $0x11  }
0xbb: {  	s0 =	sor.u32 s1, s0  }
0xbc: {  	s0 =	sadd.s32 $0x8F2B, s0  }
0xbd: {  	[sflag:s0] =	ssyncadd.remote.s32 $0x1  }
0xbe: {  	_ =	sfence.sel $0xFFFF  }
0xbf: {  	[dreg:$0x0] =	wrdreg $0xFFFFFFFF;
	(pc) =	sbr.abs _section_cstart, $3  }
0xc0: {  	[dreg:$0x1] =	wrdreg $0xFFFFFFFF  }
0xc1: {  	_ =	task.clear_ibuf [dreg:s7], $0x2FFFF;
	_ =	strace $0x9FFFFFFF  }
0xc2: {  	(tm) =	ssettm $0x7FFFFFFF  }
0xc3: {  	_ =	shalt  }
tec
execute0_lowered:
.L_overlay_start_1:
0x0: {  	(tag) =	ssettag $0x1  }
0x1: {  	s2 =	rddreg [dreg:$0x0]  }
0x2: {  	s3 =	rddreg [dreg:$0x1];
	s1 =	stileid.u32  }
0x3: {  	s4 =	srdreg.scid;
	s0 =	rddreg [dreg:$0x2];
	_ =	strace $0x8000004A  }
0x4: {  	s7 =	simm.s32 $0x1;
	s8 =	simm.s32 $0x1;
	s9 =	simm.s32 $0x3  }
0x5: {  	s10 =	simm.s32 $0x0;
	s5 =	sand.u32 $0x1, s4;
	s6 =	sshll.u32 s1, $0x1  }
0x6: {  	s13 =	simm.s32 $0x0;
	s4 =	simm.s32 $0x1;
	s5 =	sor.u32 s6, s5  }
.Ltmp0:
0x7: {  	[sflag:s4] =	ssyncpa.u1 $0x0;
	p0 =	slt.u32 s5, $0x13;
	(pc) =	sbr.rel .LBB2_1-.Ltmp0, $4  }
0x8: {  	s6 =	simm.s32 $0x2;
	s7 =	simm.s32 @!p0 $0x0;
	p0 =	sne.s32 s5, $0x12  }
0x9: {  	[sflag:s6] =	ssyncpa.u1 $0x0;
	s5 =	smul.u32 $0x190, s5;
	s8 =	simm.s32 @!p0 $0x0  }
0xa: {  	s12 =	simm.s32 $0x0;
	[sflag:s9] =	ssyncpa.u1 $0x0;
	s7 =	sadd.s32 s8, s7  }
0xb: {  	vm0 =	vmmov $0xffff;
	s8 =	sadd.s32 $0x14000, s3;
	s11 =	smov.u32 s5;
	s9 =	sadd.s32 $0x1, s7  }
.LBB2_4:
0xc: {  	v2 =	vnsel vm1, $0x0, v2  }
0xd: {  	vm1 =	vgt.s32 v0, $0x0;
	v2 =	vmin.u32 v2, $0x4E1F  }
0xe: {  	v0 =	vnsel vm1, $0x0, v0  }
0xf: {  	v0 =	vmin.u32 v0, $0x4E1F  }
0x10: {  	[tilespmem:s18], [sflag:$0x1] =	stream.indirect_vreg.gather [hbm4b:s2+s10], $0x1, v1, vm0, $0x4038;
	[tilespmem:$0x640] =	vst v63  }
0x11: {  	(ifvalue) =	ssetifvalue $0x7FFFFFFF  }
0x12: {  	[tilespmem:s15], [sflag:$0x1] =	stream.indirect_vreg.gather [hbm4b:s2+s10], $0x1, v2, vm0, $0x4038;
	[tilespmem:$0x640] =	vst v63  }
0x13: {  	s29 =	sadd.s32 $0x10, s15;
	(ifvalue) =	ssetifvalue $0x7FFFFFFF  }
0x14: {  	[tilespmem:s29], [sflag:$0x1] =	stream.indirect_vreg.gather [hbm4b:s2+s10], $0x1, v0, vm0, $0x4038;
	[tilespmem:$0x640] =	vst v63  }
0x15: {  	_ =	swait.ge [sflag:s4], $0x190  }
0x16: {  	s30 =	sshrl.u32 s13, $0x3;
	[sflag:s4] =	ssyncset.done $0x0  }
0x17: {  	s31 =	sand.u32 $0x7, s13;
	s15 =	sadd.s32 s3, s30;
	[sflag:s4] =	ssyncadd.s32 $0xFFFFFE70  }
0x18: {  	[hbm4b:s15+s31] =	stream.linear.scatter [tilespmem:s14], [sflag:$0x3], $0x190, $0x38;
	[tilespmem:$0x640] =	vst v63  }
.LBB2_5:
0x19: {  	s15 =	sadd.s32 $0x3200, s11  }
0x1a: {  	p1 =	sgt.s32 s15, $0x4E1F  }
0x1b: {  	s15 =	smov.u32 @p1 s5;
	p1 =	sne.s32 s12, s9  }
.Ltmp1:
0x1c: {  	p0 =	slt.u32 s12, $0x2;
	(pc) =	sbr.rel @!p1 .LBB2_6-.Ltmp1, $4  }
0x1d: {  	s14 =	simm.s32 @!p0 $0x3  }
0x1e: {  	_ =	swait.ge @!p0 [sflag:s14], $0x190  }
0x1f: {  	s16 =	sadd.s32 $0x1, s12;
	s13 =	smov.u32 s11;
	[sflag:s14] =	ssyncset.done @!p0 $0x0  }
0x20: {  	s12 =	smov.u32 s16;
	s11 =	smov.u32 s15;
	[sflag:s14] =	ssyncadd.s32 @!p0 $0xFFFFFE70  }
.LBB2_1:
0x21: {  	p0 =	sge.u32 s12, s7  }
0x22: {  	s14 =	sxor.u32 @!p0 $0x1, s12  }
0x23: {  	s14 =	smul.u32 @!p0 $0x640, s14  }
0x24: {  	s31 =	sadd.s32 $0xFFFFFFFF, s12;
	s15 =	sshrl.u32 @!p0 s11, $0x3  }
0x25: {  	s16 =	sand.u32 @!p0 $0x7, s11;
	s15 =	sadd.s32 @!p0 s8, s15;
	s14 =	sshra.s32 @!p0 s14, $0x2  }
0x26: {  	[tilespmem:s14], [sflag:$0x2] =	stream.linear.gather @!p0 [hbm4b:s15+s16], $0x190, $0x38;
	[tilespmem:$0x640] =	vst v63  }
0x27: {  	p0 =	sge.u32 s31, s7  }
.Ltmp2:
0x28: {  	_ = 	snop;
	(pc) =	sbr.rel @p0 .LBB2_5-.Ltmp2, $1  }
0x29: {  	_ =	sdelay $0x3  }
0x2a: {  	s14 =	sand.u32 $0x1, s12  }
0x2b: {  	_ =	swait.ge [sflag:s6], $0x190;
	p0 =	seq.s32 s14, $0x1;
	s14 =	simm.s32 $0x190  }
0x2c: {  	[sflag:s6] =	ssyncset.done $0x0;
	s14 =	simm.s32 @!p0 $0x0  }
0x2d: {  	[sflag:s6] =	ssyncadd.s32 $0xFFFFFE70;
	(ifvalue) =	ssetifvalue $0x7FFFFFFF;
	v0 =	vld.msk [tilespmem:s14+$0x0 ss:$0x1], $0xffff;
	_ =	sdelay $0x4  }
0x2e: {  	s15 =	sadd.s32 $0x10, s14;
	vm1 =	vgt.s32 v0, $0x0  }
0x2f: {  	v2 =	vld.msk [tilespmem:s15+$0x0 ss:$0x1], $0xffff;
	v1 =	vnsel vm1, $0x0, v0  }
0x30: {  	v1 =	vmin.u32 v1, $0x4E1F;
	_ =	sdelay $0x2  }
0x31: {  	s17 =	simm.s32 $0x20;
	s14 =	sadd.s32 $0x320, s14;
	s16 =	sadd.s32 $0x10, s15  }
0x32: {  	s15 =	sadd.s32 $0x10, s14;
	s18 =	smov.u32 s14;
	v0 =	vld.msk [tilespmem:s16+$0x0 ss:$0x1], $0xffff;
	vm1 =	vgt.s32 v2, $0x0;
	(ifvalue) =	ssetifvalue $0x7FFFFFFF  }
.LBB2_3:
0x33: {  	[tilespmem:s18], [sflag:$0x1] =	stream.indirect_vreg.gather [hbm4b:s2+s10], $0x1, v1, vm0, $0x4038;
	[tilespmem:$0x640] =	vst v63  }
0x34: {  	s17 =	sadd.s32 $0x10, s17  }
0x35: {  	v2 =	vnsel vm1, $0x0, v2;
	p0 =	slt.u32 s17, $0x180  }
.Ltmp3:
0x36: {  	s18 =	smov.u32 s15;
	v1 =	vmin.u32 v2, $0x4E1F;
	(pc) =	sbr.rel @p0 .LBB2_3-.Ltmp3, $3  }
0x37: {  	_ =	sdelay $0x1  }
0x38: {  	s16 =	sadd.s32 $0x10, s16  }
0x39: {  	vm1 =	vgt.s32 v0, $0x0;
	s15 =	sadd.s32 $0x10, s15;
	v2 =	vmov v0;
	(ifvalue) =	ssetifvalue $0x7FFFFFFF;
	v0 =	vld.msk [tilespmem:s16+$0x0 ss:$0x1], $0xffff  }
.Ltmp4:
0x3a: {  	_ = 	snop;
	(pc) =	sbr.rel .LBB2_4-.Ltmp4, $1  }
0x3b: {  	_ =	sdelay $0x3  }
.LBB2_6:
0x3c: {  	_ =	sfence.sel $0x180000  }
0x3d: {  	s2 =	simm.s32 $0x2;
	[bflag:$0x0] =	sbarrier.arrive $0xFFFF  }
0x3e: {  	s30 =	simm.s32 $0x3;
	[sflag:s2] =	ssyncpa.u1 $0x1  }
0x3f: {  	s31 =	simm.s32 $0x1;
	[sflag:s30] =	ssyncpa.u1 $0x1  }
0x40: {  	[sflag:s31] =	ssyncpa.u1 $0x1  }
0x41: {  	p0 =	sne.s32 s1, $0x0;
	_ =	strace $0x9000004A  }
0x42: {  	s0 =	sadd.s32 @!p0 $0x100000, s0;
	[bflag:$0x2] =	sbarrier.arrive $0xFFFF  }
0x43: {  	[sflag:s0] =	ssyncadd.tile.s32 @!p0 $0x1;
	_ =	shalt  }
.Lfunc_end2:
_tile_overlayer_lowered:
.L_overlay_start_2:
0x44: {  	(tag) =	ssettag $0x2  }
0x45: {  	s0 =	rddreg [dreg:$0x0];
	s2 =	stileid.u32  }
0x46: {  	s1 =	rddreg [dreg:$0x1];
	p0 =	sne.s32 s2, $0x0  }
0x47: {  	s3 =	rddreg [dreg:$0x2];
	[bflag:$0x3] =	sbarrier.arrive $0xFFFF;
	s2 =	simm.s32 @!p0 $0x1C01  }
0x48: {  	[timem:s3], [sflag:s2] =	dma.local @!p0 [hbm:s0], s1  }
0x49: {  	s0 =	simm.s32 @!p0 $0x1  }
0x4a: {  	_ =	swait.ge @!p0 [sflag:s0], s1  }
0x4b: {  	s1 =	ssub.s32 @!p0 $0x0, s1;
	[sflag:s0] =	ssyncset.done @!p0 $0x0  }
0x4c: {  	[sflag:s0] =	ssyncadd.s32 @!p0 s1  }
0x4d: {  	[bflag:$0x3] =	sbarrier.arrive $0xFFFF  }
0x4e: {  	_ =	shalt  }

// kernel: kernel.4.cloned.1.call-start
scs
__scs_entry_jumppad:
0x0: {  	(pc) =	sbr.rel $0x88, $3  }
0x1: {  	(tag) =	ssettag $0x0;
	lr =	simm.s32 $0x1  }
0x2: {  	[smem:$0x3F9F] =	sst lr;
	_ =	strace $0xD0000000  }
0x3: {  	_ = 	snop  }
0x4: {  	_ = 	snop  }
0x5: {  	_ = 	snop  }
0x6: {  	_ = 	snop  }
0x7: {  	_ = 	snop  }
__scs_overlays_trampoline_lowered:
0x8: {  	[smem:$0x3FAE] =	sst s0  }
0x9: {  	[smem:$0x3FAF] =	sst s1  }
0xa: {  	[smem:$0x3FB0] =	sst s2  }
0xb: {  	[smem:$0x3FB1] =	sst s3  }
0xc: {  	[smem:$0x3FB2] =	sst s4  }
0xd: {  	[smem:$0x3FB3] =	sst s5  }
0xe: {  	[smem:$0x3FB4] =	sst s6  }
0xf: {  	[smem:$0x3FB5] =	sst s7  }
0x10: {  	[smem:$0x3FB6] =	sst s8  }
0x11: {  	[smem:$0x3FB7] =	sst s9;
	s0 =	simm.s32 @!p0 $0x0  }
0x12: {  	s1 =	sld [smem:$0x3F9D];
	s0 =	simm.s32 @p0 $0x1  }
0x13: {  	[smem:$0x3FB8] =	sst s0;
	s0 =	simm.s32 @!p1 $0x0  }
0x14: {  	s2 =	sld [smem:$0x3F9C];
	s0 =	simm.s32 @p1 $0x1  }
0x15: {  	[smem:$0x3FB9] =	sst s0;
	s0 =	simm.s32 @!p2 $0x0  }
0x16: {  	s3 =	sld [smem:$0x3FDB];
	s0 =	simm.s32 @p2 $0x1  }
0x17: {  	s4 =	simm.s32 $0x1BF5;
	[smem:$0x3FBB] =	sst s0  }
0x18: {  	s0 =	sld [smem:$0x3F9E];
	_ =	swait.ge [sflag:s4], $0x0  }
0x19: {  	s7 =	sld [smem:$0x3F9F]  }
0x1a: {  	s8 =	sadd.s32 $0xFFFFE003, lr  }
0x1b: {  	s9 =	sadd.s32 $0xFFFFFEF7, lr;
	s5 =	simm.s32 $0xFFFFFFFF;
	p2 =	slt.u32 s8, $0xFFFFF086  }
0x1c: {  	p1 =	slt.u32 s9, $0xF7A;
	s5 =	simm.s32 @!p2 $0x0  }
0x1d: {  	s5 =	simm.s32 @p1 $0x1;
	p0 =	seq.s32 s7, s2  }
0x1e: {  	s7 =	smul.u32 @!p0 $0xF7A, s2;
	p2 =	seq.s32 @!p0 s5, $0x0  }
0x1f: {  	s9 =	smul.u32 $0xF7A, s1;
	s8 =	simm.s32 @!p0 $0x1BF5;
	p2 =	por !p2, p0  }
0x20: {  	[sflag:s8] =	ssyncset.s32 @!p0 $0xFFFFF086;
	s6 =	sadd.s32 @!p0 s3, s7;
	s7 =	simm.s32 @!p0 $0x108  }
0x21: {  	s3 =	sadd.s32 s3, s9;
	s6 =	sadd.s32 @!p0 $0x88, s6;
	s7 =	simm.s32 @p2 $0x1082  }
0x22: {  	[simem:s7], [sflag:s8] =	dma.local @!p0 [hbm:s6], $0xF7A  }
0x23: {  	s9 =	sor.u32 $0xD0000000, s2;
	s6 =	simm.s32 $0x108;
	_ =	swait.ge @!p0 [sflag:s8], $0x0  }
0x24: {  	s3 =	sadd.s32 $0x88, s3;
	s6 =	simm.s32 @!p1 $0x1082;
	[sflag:s4] =	ssyncset.s32 $0xFFFFF086  }
0x25: {  	[simem:s6], [sflag:s4] =	dma.local [hbm:s3], $0xF7A  }
0x26: {  	[smem:$0x3F9F] =	sst s1;
	(tag) =	ssettag s2;
	_ =	strace s9  }
0x27: {  	s1 =	sld [smem:$0x3FAF]  }
0x28: {  	s2 =	sld [smem:$0x3FB0]  }
0x29: {  	s4 =	sld [smem:$0x3FB2]  }
0x2a: {  	p0 =	seq.s32 s5, $0x0;
	s5 =	sld [smem:$0x3FB3]  }
0x2b: {  	s6 =	sld [smem:$0x3FB4]  }
0x2c: {  	s7 =	sld [smem:$0x3FB5]  }
0x2d: {  	s3 =	simm.s32 $0x108;
	s8 =	sld [smem:$0x3FB6]  }
0x2e: {  	s3 =	simm.s32 @!p0 $0x1082;
	s9 =	sld [smem:$0x3FB7]  }
0x2f: {  	lr =	sadd.s32 s0, s3;
	s0 =	sld [smem:$0x3FAE]  }
0x30: {  	s3 =	sld [smem:$0x3FB1]  }
0x31: {  	[smem:$0x3FBA] =	sst s10  }
0x32: {  	s10 =	sld [smem:$0x3FB8];
	_ =	sdelay $0x3  }
0x33: {  	p0 =	seq.s32 s10, $0x1;
	s10 =	sld [smem:$0x3FBA];
	_ =	sdelay $0x3  }
0x34: {  	[smem:$0x3FBA] =	sst s10  }
0x35: {  	s10 =	sld [smem:$0x3FB9];
	_ =	sdelay $0x3  }
0x36: {  	p1 =	seq.s32 s10, $0x1;
	s10 =	sld [smem:$0x3FBA];
	_ =	sdelay $0x3  }
0x37: {  	[smem:$0x3FBA] =	sst s10  }
0x38: {  	s10 =	sld [smem:$0x3FBB]  }
0x39: {  	_ = 	snop;
	(pc) =	sbr.ind lr, $3  }
0x3a: {  	_ = 	snop  }
0x3b: {  	_ = 	snop  }
0x3c: {  	p2 =	seq.s32 s10, $0x1;
	s10 =	sld [smem:$0x3FBA]  }
0x3d: {  	_ =	shalt  }
0x3e: {  	_ =	shalt  }
0x3f: {  	_ =	shalt  }
0x40: {  	_ =	shalt  }
0x41: {  	_ =	shalt  }
0x42: {  	_ =	shalt  }
0x43: {  	_ =	shalt  }
0x44: {  	_ =	shalt  }
0x45: {  	_ =	shalt  }
0x46: {  	_ =	shalt  }
0x47: {  	_ =	shalt  }
0x48: {  	_ =	shalt  }
0x49: {  	_ =	shalt  }
0x4a: {  	_ =	shalt  }
0x4b: {  	_ =	shalt  }
0x4c: {  	_ =	shalt  }
0x4d: {  	_ =	shalt  }
0x4e: {  	_ =	shalt  }
0x4f: {  	_ =	shalt  }
0x50: {  	_ =	shalt  }
0x51: {  	_ =	shalt  }
0x52: {  	_ =	shalt  }
0x53: {  	_ =	shalt  }
0x54: {  	_ =	shalt  }
0x55: {  	_ =	shalt  }
0x56: {  	_ =	shalt  }
0x57: {  	_ =	shalt  }
0x58: {  	_ =	shalt  }
0x59: {  	_ =	shalt  }
0x5a: {  	_ =	shalt  }
0x5b: {  	_ =	shalt  }
0x5c: {  	_ =	shalt  }
0x5d: {  	_ =	shalt  }
0x5e: {  	_ =	shalt  }
0x5f: {  	_ =	shalt  }
0x60: {  	_ =	shalt  }
0x61: {  	_ =	shalt  }
0x62: {  	_ =	shalt  }
0x63: {  	_ =	shalt  }
0x64: {  	_ =	shalt  }
0x65: {  	_ =	shalt  }
0x66: {  	_ =	shalt  }
0x67: {  	_ =	shalt  }
0x68: {  	_ =	shalt  }
0x69: {  	_ =	shalt  }
0x6a: {  	_ =	shalt  }
0x6b: {  	_ =	shalt  }
0x6c: {  	_ =	shalt  }
0x6d: {  	_ =	shalt  }
0x6e: {  	_ =	shalt  }
0x6f: {  	_ =	shalt  }
0x70: {  	_ =	shalt  }
0x71: {  	_ =	shalt  }
0x72: {  	_ =	shalt  }
0x73: {  	_ =	shalt  }
0x74: {  	_ =	shalt  }
0x75: {  	_ =	shalt  }
0x76: {  	_ =	shalt  }
0x77: {  	_ =	shalt  }
0x78: {  	_ =	shalt  }
0x79: {  	_ =	shalt  }
0x7a: {  	_ =	shalt  }
0x7b: {  	_ =	shalt  }
0x7c: {  	_ =	shalt  }
0x7d: {  	_ =	shalt  }
0x7e: {  	_ =	shalt  }
0x7f: {  	_ =	shalt  }
0x80: {  	_ =	shalt  }
0x81: {  	_ =	shalt  }
0x82: {  	_ =	shalt  }
0x83: {  	_ =	shalt  }
0x84: {  	_ =	shalt  }
0x85: {  	_ =	shalt  }
0x86: {  	_ =	shalt  }
0x87: {  	_ =	shalt  }
.Lfunc_end0:
.L_simem_size_0:
called_computation.1_lowered:
.L_overlay_start_0:
0x88: {  	s2 =	sld [smem:$0x3FD9]  }
0x89: {  	s3 =	sld [smem:$0x3FFE];
	_ =	sdelay $0x1  }
0x8a: {  	s1 =	srdreg.scid  }
0x8b: {  	s0 =	sand.u32 $0x1, s1  }
0x8c: {  	s17 =	sshll.u32 s0, $0xA;
	s2 =	sadd.s32 s3, s2  }
0x8d: {  	s2 =	sadd.s32 s2, s17  }
0x8e: {  	[smem:$0x3FC6] =	sst s2  }
0x8f: {  	_ = 	snop  }
0x90: {  	s2 =	sld [smem:$0x3FD0];
	(tm) =	ssettm $0x1  }
0x91: {  	s18 =	sld [smem:$0x3FFB];
	_ =	sdelay $0x3  }
0x92: {  	_ =	strace s18  }
0x93: {  	s3 =	sld [smem:$0x3FFC];
	_ =	sdelay $0x3  }
0x94: {  	_ =	strace s3  }
0x95: {  	s3 =	sld [smem:$0x3FFD];
	_ =	sdelay $0x3  }
0x96: {  	_ =	strace s3  }
0x97: {  	_ =	strace $0x8FFFFFFF  }
0x98: {  	s19 =	sld [smem:$0x3FDB];
	_ =	sdelay $0x1  }
0x99: {  	s4 =	simm.s32 $_scs_section_size  }
0x9a: {  	s5 =	simm.s32 $_size__tile_overlayer_lowered;
	s6 =	simm.s32 $_tile_overlayer_lowered  }
0x9b: {  	s22 =	simm.s32 $0x1BFF;
	s21 =	sshll.u32 s6, $0x1;
	s3 =	sadd.s32 s4, s19  }
0x9c: {  	s7 =	simm.s32 $0x0;
	s20 =	sshll.u32 s5, $0x1;
	s5 =	sadd.s32 s21, s3  }
0x9d: {  	[timem:s7], [sflag:s22] =	dma.local [hbm:s5], s20  }
0x9e: {  	_ =	swait.ge [sflag:s22], s20  }
0x9f: {  	s4 =	ssub.s32 $0x0, s20;
	[sflag:s22] =	ssyncset.done $0x0  }
0xa0: {  	[sflag:s22] =	ssyncadd.s32 s4;
	_ =	sdelay $0x1  }
0xa1: {  	s23 =	simm.s32 $0x1B8B  }
0xa2: {  	_ =	swait.ge [sflag:s23], $0x1  }
0xa3: {  	[sflag:s23] =	ssyncset.done $0x0  }
0xa4: {  	s25 =	simm.s32 $0x1B8E;
	s24 =	sld [smem:$0x3FFE];
	[sflag:s23] =	ssyncadd.s32 $0xFFFFFFFF  }
0xa5: {  	s26 =	simm.s32 $execute0_lowered;
	[smem:$0x3FD2] =	sst s25  }
0xa6: {  	s5 =	sshll.u32 s26, $0x1;
	_ =	strace $0x80000046;
	[dreg:$0x1] =	wrdreg $0xFFFFFFFF  }
0xa7: {  	s28 =	simm.s32 $_size_execute0_lowered;
	s3 =	sadd.s32 s3, s5;
	[dreg:$0x0] =	wrdreg $0x0  }
0xa8: {  	s5 =	sshll.u32 s28, $0x1;
	[dreg:$0x2] =	wrdreg s3  }
0xa9: {  	[dreg:$0x3] =	wrdreg s5  }
0xaa: {  	[dreg:$0x4] =	wrdreg $0xC0  }
0xab: {  	_ =	task [dreg:s7], $0x5FFFF  }
0xac: {  	[dreg:$0x1] =	wrdreg $0xFFFFFFFF  }
0xad: {  	[dreg:$0x0] =	wrdreg $0x60  }
0xae: {  	[dreg:$0x2] =	wrdreg s24  }
0xaf: {  	[dreg:$0x3] =	wrdreg s2  }
0xb0: {  	[dreg:$0x4] =	wrdreg $0x9  }
0xb1: {  	_ =	task.clear_ibuf [dreg:s7], $0x5FFFF;
	_ =	strace $0x90000046  }
0xb2: {  	s29 =	simm.s32 $0x9;
	_ =	strace $0x80000048  }
0xb3: {  	_ =	swait.ge [sflag:s29], $0x1  }
0xb4: {  	[sflag:s29] =	ssyncadd.s32 $0xFFFFFFFF  }
0xb5: {  	_ =	strace $0x90000048  }
0xb6: {  	_ =	sfence  }
0xb7: {  	s30 =	sld [smem:$0x0];
	_ =	sdelay $0x2  }
0xb8: {  	s31 =	sshll.u32 s1, $0xD;
	s1 =	sshrl.u32 s1, $0x2  }
0xb9: {  	s3 =	sand.u32 $0x4000, s31;
	s1 =	sadd.s32 s1, s30  }
0xba: {  	s0 =	sor.u32 s3, s0;
	s1 =	sshll.u32 s1, $0x11  }
0xbb: {  	s0 =	sor.u32 s1, s0  }
0xbc: {  	s0 =	sadd.s32 $0x8F2B, s0  }
0xbd: {  	[sflag:s0] =	ssyncadd.remote.s32 $0x1  }
0xbe: {  	_ =	sfence.sel $0xFFFF  }
0xbf: {  	[dreg:$0x0] =	wrdreg $0xFFFFFFFF;
	(pc) =	sbr.abs _section_cstart, $3  }
0xc0: {  	[dreg:$0x1] =	wrdreg $0xFFFFFFFF  }
0xc1: {  	_ =	task.clear_ibuf [dreg:s7], $0x2FFFF;
	_ =	strace $0x9FFFFFFF  }
0xc2: {  	(tm) =	ssettm $0x7FFFFFFF  }
0xc3: {  	_ =	shalt  }
tec
execute0_lowered:
.L_overlay_start_1:
0x0: {  	(tag) =	ssettag $0x1  }
0x1: {  	s1 =	srdreg.scid;
	s0 =	stileid.u32  }
0x2: {  	s2 =	rddreg [dreg:$0x0];
	s6 =	sand.u32 $0x1, s1;
	s31 =	sshll.u32 s0, $0x1  }
0x3: {  	s4 =	rddreg [dreg:$0x1];
	s3 =	simm.s32 $0x0;
	s7 =	sor.u32 s6, s31  }
0x4: {  	[smem:$0x7FF] =	sst s3;
	s5 =	smul.u32 $0x50, s7  }
0x5: {  	s1 =	rddreg [dreg:$0x2];
	_ =	strace $0x80000047  }
0x6: {  	s9 =	ssub.s32 $0x2, s6;
	s5 =	sadd.s32 s4, s5;
	s4 =	simm.s32 $0x2  }
0x7: {  	[tilespmem:s3], [sflag:$0x2] =	stream.linear.gather [hbm4b:s5+s3], $0x280, $0x38;
	[tilespmem:$0x2A80] =	vst v63  }
0x8: {  	s6 =	simm.s32 $0x280;
	s10 =	sshrl.u32 s9, $0x1;
	_ =	swait.ge [sflag:s4], $0x280  }
0x9: {  	s8 =	smul.u32 $0x500, s7;
	s9 =	ssub.s32 s9, s10;
	[sflag:s4] =	ssyncset.done $0x0  }
0xa: {  	s7 =	simm.s32 $0x1;
	s9 =	smax.u32 s9, $0x1;
	[sflag:s4] =	ssyncadd.s32 $0xFFFFFD80  }
0xb: {  	[tilespmem:s6], [sflag:$0x1] =	stream.indirect.gather [hbm4b:s2+s6], $0x10, s3, s6, $0xb8;
	[tilespmem:$0x2A80] =	vst v63  }
0xc: {  	p0 =	sne.s32 s9, $0x1;
	_ =	swait.ge [sflag:s7], $0x2800  }
.Ltmp0:
0xd: {  	s8 =	sadd.s32 s8, s2;
	[sflag:s7] =	ssyncset.done $0x0;
	(pc) =	sbr.rel @!p0 .LBB2_2-.Ltmp0, $4  }
0xe: {  	s8 =	sadd.s32 $0x9E00, s8;
	[sflag:s7] =	ssyncadd.s32 $0xFFFFD800  }
0xf: {  	[hbm4b:s8+s3] =	stream.linear.scatter [tilespmem:s6], [sflag:$0x2], $0x2800, $0x38;
	[tilespmem:$0x2A80] =	vst v63  }
0x10: {  	_ =	swait.ge [sflag:s4], $0x2800  }
0x11: {  	s9 =	sadd.s32 $0xFFFFFFFF, s9;
	[sflag:s4] =	ssyncset.done $0x0  }
.LBB2_1:
0x12: {  	p0 =	sne.s32 s9, $0x1;
	s9 =	sadd.s32 $0xFFFFFFFF, s9;
	[sflag:s4] =	ssyncadd.s32 $0xFFFFD800  }
0x13: {  	[tilespmem:s3], [sflag:$0x2] =	stream.linear.gather [hbm4b:s5+s3], $0x280, $0x38;
	[tilespmem:$0x2A80] =	vst v63  }
0x14: {  	_ =	swait.ge [sflag:s4], $0x280  }
0x15: {  	[sflag:s4] =	ssyncset.done $0x0  }
0x16: {  	[sflag:s4] =	ssyncadd.s32 $0xFFFFFD80  }
0x17: {  	[tilespmem:s6], [sflag:$0x1] =	stream.indirect.gather [hbm4b:s2+s6], $0x10, s3, s6, $0xb8;
	[tilespmem:$0x2A80] =	vst v63  }
0x18: {  	_ =	swait.ge [sflag:s7], $0x2800  }
.Ltmp1:
0x19: {  	[sflag:s7] =	ssyncset.done $0x0;
	(pc) =	sbr.rel @p0 .LBB2_1-.Ltmp1, $4  }
0x1a: {  	[sflag:s7] =	ssyncadd.s32 $0xFFFFD800  }
0x1b: {  	[hbm4b:s8+s3] =	stream.linear.scatter [tilespmem:s6], [sflag:$0x2], $0x2800, $0x38;
	[tilespmem:$0x2A80] =	vst v63  }
0x1c: {  	_ =	swait.ge [sflag:s4], $0x2800  }
0x1d: {  	[sflag:s4] =	ssyncset.done $0x0  }
.LBB2_2:
0x1e: {  	[sflag:s4] =	ssyncadd.s32 $0xFFFFD800  }
0x1f: {  	_ =	sfence.sel $0x180000  }
0x20: {  	[bflag:$0x0] =	sbarrier.arrive $0xFFFF  }
0x21: {  	p0 =	sne.s32 s0, $0x0;
	_ =	strace $0x90000047  }
0x22: {  	s0 =	sadd.s32 @!p0 $0x100000, s1;
	[bflag:$0x2] =	sbarrier.arrive $0xFFFF  }
0x23: {  	[sflag:s0] =	ssyncadd.tile.s32 @!p0 $0x1;
	_ =	shalt  }
.Lfunc_end2:
_tile_overlayer_lowered:
.L_overlay_start_2:
0x24: {  	(tag) =	ssettag $0x2  }
0x25: {  	s0 =	rddreg [dreg:$0x0];
	s2 =	stileid.u32  }
0x26: {  	s1 =	rddreg [dreg:$0x1];
	p0 =	sne.s32 s2, $0x0  }
0x27: {  	s3 =	rddreg [dreg:$0x2];
	[bflag:$0x3] =	sbarrier.arrive $0xFFFF;
	s2 =	simm.s32 @!p0 $0x1C02  }
0x28: {  	[timem:s3], [sflag:s2] =	dma.local @!p0 [hbm:s0], s1  }
0x29: {  	s0 =	simm.s32 @!p0 $0x2  }
0x2a: {  	_ =	swait.ge @!p0 [sflag:s0], s1  }
0x2b: {  	s1 =	ssub.s32 @!p0 $0x0, s1;
	[sflag:s0] =	ssyncset.done @!p0 $0x0  }
0x2c: {  	[sflag:s0] =	ssyncadd.s32 @!p0 s1  }
0x2d: {  	[bflag:$0x3] =	sbarrier.arrive $0xFFFF  }
0x2e: {  	_ =	shalt  }

</sc_bundles>
